<compile_context>
chip_gen: v7x
topology: tpu7x:2x2x1
jax: 0.10.2.dev20260603
libtpu: 0.0.44.dev20260713+nightly
codegen_flags: <defaults>
</compile_context>

<pallas_src>
import functools

import jax
import jax.numpy as jnp
from jax.experimental import pallas as pl
from jax.experimental.pallas import tpu as pltpu
from jax.experimental.pallas import tpu_sc as plsc

_B, _T, _C, _H, _W = 4, 16, 3, 224, 224
_DIM = 128
_HW = _H * _W
_G = _B * _T * _C
_BT = _B * _T

_NTILES = 32
_GSC = 32
_GTC = _G - _GSC
_GRID = 4
_RB = _GTC // _GRID

_KC = 8
_KF = 3
_WV = _W // 16


def _iota(shape, dim):
    return jax.lax.broadcasted_iota(jnp.int32, shape, dim)


def _topk_mask(s, k):
    t_io = _iota((_B, _T), 1)
    m = s
    mask = jnp.zeros((_B, _T), jnp.float32)
    idxs = []
    for _ in range(k):
        mx = jnp.max(m, axis=1, keepdims=True)
        cand = jnp.where(m == mx, t_io, _T)
        amin = jnp.min(cand, axis=1, keepdims=True)
        chosen = t_io == amin
        mask = jnp.where(chosen, 1.0, mask)
        m = jnp.where(chosen, -jnp.inf, m)
        idxs.append(amin)
    return mask, idxs



def _sc_body(x_hbm, o_hbm, buf, accv):
    c = jax.lax.axis_index("c")
    s = jax.lax.axis_index("s")
    tid = c * 16 + s
    g = _GTC + tid
    pltpu.sync_copy(x_hbm.at[g], buf)

    def row(r, acc):
        for j in range(_WV):
            acc = acc + buf[r, pl.ds(j * 16, 16)]
        return acc

    acc = jax.lax.fori_loop(0, _H, row, jnp.zeros((16,), jnp.float32))
    accv[...] = acc
    pltpu.sync_copy(accv, o_hbm.at[tid])


_sc_reduce = pl.kernel(
    _sc_body,
    out_type=jax.ShapeDtypeStruct((_GSC, 16), jnp.float32),
    mesh=plsc.VectorSubcoreMesh(core_axis_name="c", subcore_axis_name="s"),
    scratch_types=[
        pltpu.VMEM((_H, _W), jnp.float32),
        pltpu.VMEM((16,), jnp.float32),
    ],
)



def _reduce_body(xr, o_sums):
    i = pl.program_id(0)
    o_sums[pl.ds(i * _RB, _RB), :] = (
        jnp.sum(xr[...], axis=2).sum(axis=1, keepdims=True))


def _head_body(tcs, scp, w1, b1, wf, wd, bd, wc1, bc1, wc2, bc2, rnd,
               o_logits, o_s1, o_s2, o_fidx):
    if True:
        sc_sums = jnp.sum(scp[...], axis=1, keepdims=True)
        emb_col = (jnp.concatenate([tcs[...], sc_sums], axis=0)
                   * (1.0 / _HW))

        r_io = _iota((_BT, _G), 1)
        bt_io = _iota((_BT, _G), 0)
        sel3 = (r_io // _C == bt_io).astype(jnp.float32)
        lc = (_iota((_G, _C), 0) % _C == _iota((_G, _C), 1)).astype(jnp.float32)
        embmat = jax.lax.dot(sel3, emb_col * lc,
                             preferred_element_type=jnp.float32)

        h = jax.nn.relu(jax.lax.dot(embmat, w1[...],
                                    preferred_element_type=jnp.float32) + b1[...])

        rep = (_iota((_BT, _B), 0) // _T == _iota((_BT, _B), 1)).astype(jnp.float32)
        sel4 = (_iota((_B, _BT), 1) // _T == _iota((_B, _BT), 0)).astype(jnp.float32)
        l16 = (_iota((_BT, _T), 0) % _T == _iota((_BT, _T), 1)).astype(jnp.float32)

        def scores(f):
            frep = jax.lax.dot(rep, f, preferred_element_type=jnp.float32)
            rs = jnp.sum(h * frep, axis=1, keepdims=True)
            return jax.lax.dot(sel4, rs * l16,
                               preferred_element_type=jnp.float32)

        def pooled_feats(mask, k):
            gm = jnp.concatenate([mask] * _B, axis=1) * sel4
            pooled = jax.lax.dot(gm, embmat,
                                 preferred_element_type=jnp.float32) * (1.0 / k)
            return jax.nn.relu(jax.lax.dot(pooled, wd[...],
                                           preferred_element_type=jnp.float32)
                               + bd[...])

        f1 = jax.lax.dot(rnd[...], wf[...], preferred_element_type=jnp.float32)
        s1 = scores(f1)
        mask1, _ = _topk_mask(s1, _KC)
        dama1 = pooled_feats(mask1, _KC)

        f2 = jax.lax.dot(dama1, wf[...], preferred_element_type=jnp.float32)
        s2 = scores(f2)
        mask2, idx2 = _topk_mask(s2, _KF)
        feats2 = pooled_feats(mask2, _KF)

        hc = jax.nn.relu(jax.lax.dot(feats2, wc1[...],
                                     preferred_element_type=jnp.float32) + bc1[...])
        logits = jax.lax.dot(hc, wc2[...],
                             preferred_element_type=jnp.float32) + bc2[...]

        o_logits[...] = logits
        o_s1[...] = s1
        o_s2[...] = s2
        o_fidx[...] = jnp.concatenate(idx2, axis=1)


@jax.jit
def kernel(x, W1_tks, b1_tks, Wf_tks, Wd, bd, Wc1, bc1, Wc2, bc2):
    xr = x.reshape(_G, _H, _W)
    rnd = jax.random.normal(jax.random.key(42), (_B, _DIM), dtype=jnp.float32)

    full = lambda shp: pl.BlockSpec(shp, lambda *_: tuple(0 for _ in shp))

    sc_part = _sc_reduce(xr)
    tc_sums = pl.pallas_call(
        _reduce_body,
        grid=(_GRID,),
        in_specs=[pl.BlockSpec((_RB, _H, _W), lambda i: (i, 0, 0))],
        out_specs=full((_GTC, 1)),
        out_shape=jax.ShapeDtypeStruct((_GTC, 1), jnp.float32),
    )(xr)

    out = pl.pallas_call(
        _head_body,
        in_specs=[
            full((_GTC, 1)),
            full((_GSC, 16)),
            full((_C, _DIM)),
            full((1, _DIM)),
            full((_DIM, _DIM)),
            full((_C, _DIM)),
            full((1, _DIM)),
            full((_DIM, 256)),
            full((1, 256)),
            full((256, 2)),
            full((1, 2)),
            full((_B, _DIM)),
        ],
        out_specs=[
            full((_B, 2)),
            full((_B, _T)),
            full((_B, _T)),
            full((_B, _KF)),
        ],
        out_shape=[
            jax.ShapeDtypeStruct((_B, 2), jnp.float32),
            jax.ShapeDtypeStruct((_B, _T), jnp.float32),
            jax.ShapeDtypeStruct((_B, _T), jnp.float32),
            jax.ShapeDtypeStruct((_B, _KF), jnp.int32),
        ],
    )(tc_sums, sc_part, W1_tks, b1_tks.reshape(1, _DIM), Wf_tks, Wd,
      bd.reshape(1, _DIM), Wc1, bc1.reshape(1, 256), Wc2,
      bc2.reshape(1, 2), rnd)
    logits, s1, s2, fidx = out
    return (logits, s1, s2, fidx)

# --- scband reference (transcript-rebuilt; emitter-appended) ---
"""Pipeline reference for scband-deepfake-detector-63376537420236 (READ-ONLY COPY).

The authoritative reference and input builder live on the scoring server;
editing this copy changes nothing except your own understanding.
"""

import jax, jax.numpy as jnp
import numpy as np

B, T, C, H, W = 4, 16, 3, 224, 224
DIM = 128
DAMA_DIM = 128
CANDIDATE_RATIO = 0.5


def setup_inputs(seed: int = 0) -> dict:
    key = jax.random.key(seed)
    ks = jax.random.split(key, 10)
    inp = {}
    inp["x"] = jax.random.normal(ks[0], (B, T, C, H, W), dtype=jnp.float32)
    # TKS (temporal key-frame scorer) params
    inp["W1_tks"] = jax.random.normal(ks[1], (C, DIM), dtype=jnp.float32) * 0.1
    inp["b1_tks"] = jnp.zeros((DIM,), dtype=jnp.float32)
    inp["Wf_tks"] = jax.random.normal(ks[2], (DAMA_DIM, DIM), dtype=jnp.float32) * 0.1
    # DAMA feature extractor params
    inp["Wd"] = jax.random.normal(ks[3], (C, DAMA_DIM), dtype=jnp.float32) * 0.1
    inp["bd"] = jnp.zeros((DAMA_DIM,), dtype=jnp.float32)
    # classifier: Linear(dama_dim, 256) -> ReLU -> Linear(256, 2)
    inp["Wc1"] = jax.random.normal(ks[4], (DAMA_DIM, 256), dtype=jnp.float32) * 0.05
    inp["bc1"] = jnp.zeros((256,), dtype=jnp.float32)
    inp["Wc2"] = jax.random.normal(ks[5], (256, 2), dtype=jnp.float32) * 0.05
    inp["bc2"] = jnp.zeros((2,), dtype=jnp.float32)
    return inp


def _tks(x, feats, W1, b1, Wf):
    # x: [B, T, C, H, W]; feats: [B, dama_dim] -> per-frame scores [B, T]
    frame_emb = jnp.mean(x, axis=(3, 4))              # [B, T, C]
    h = jax.nn.relu(frame_emb @ W1 + b1)              # [B, T, DIM]
    f = feats @ Wf                                    # [B, DIM]
    return jnp.sum(h * f[:, None, :], axis=-1)        # [B, T]


def _dama(frames, Wd, bd):
    # frames: [B, K, C, H, W] -> features [B, dama_dim]
    pooled = jnp.mean(frames, axis=(1, 3, 4))          # [B, C]
    return jax.nn.relu(pooled @ Wd + bd)               # [B, DAMA_DIM]


def reference(x, W1_tks, b1_tks, Wf_tks, Wd, bd, Wc1, bc1, Wc2, bc2):
    Bx, Tx = x.shape[0], x.shape[1]
    # torch.no_grad block with random features
    rkey = jax.random.key(42)
    random_features = jax.random.normal(rkey, (Bx, DAMA_DIM), dtype=jnp.float32)
    initial_scores = jax.lax.stop_gradient(
        _tks(x, random_features, W1_tks, b1_tks, Wf_tks))  # [B, T]
    candidate_num = max(1, int(Tx * CANDIDATE_RATIO))
    _, cand_idx = jax.lax.top_k(initial_scores, candidate_num)   # [B, Kc]
    cand_frames = jnp.take_along_axis(
        x, cand_idx[:, :, None, None, None], axis=1)             # [B, Kc, C, H, W]
    dama_feats = _dama(cand_frames, Wd, bd)                      # [B, DAMA_DIM]
    final_scores = _tks(x, dama_feats, W1_tks, b1_tks, Wf_tks)   # [B, T]
    k = min(3, Tx)
    _, final_idx = jax.lax.top_k(final_scores, k)                # [B, 3]
    final_frames = jnp.take_along_axis(
        x, final_idx[:, :, None, None, None], axis=1)            # [B, 3, C, H, W]
    final_feats = _dama(final_frames, Wd, bd)                    # [B, DAMA_DIM]
    h = jax.nn.relu(final_feats @ Wc1 + bc1)
    logits = h @ Wc2 + bc2                                       # [B, 2]
    return (logits, initial_scores, final_scores, final_idx)

if __name__ == "__main__":
    import jax
    _d = setup_inputs()
    print(jax.jit(kernel)(*tuple(_d.values())))

</pallas_src>

<mosaic_0001>
#map = affine_map<(d0, d1) -> (0, 0, 0)>
#map1 = affine_map<(d0, d1) -> (0, 0)>
module attributes {stable_mosaic.version = 14 : i64} {
  func.func @_sc_body(%arg0: i32, %arg1: i32, %arg2: memref<192x224x224xf32, #tpu.memory_space<hbm>>, %arg3: memref<32x16xf32, #tpu.memory_space<hbm>>, %arg4: memref<224x224xf32, #tpu.memory_space<vmem>>, %arg5: memref<16xf32, #tpu.memory_space<vmem>>) attributes {dimension_semantics = [#tpu.dimension_semantics<core_parallel>, #tpu.dimension_semantics<subcore_parallel>], iteration_bounds = array<i64: 2, 16>, scalar_prefetch = 0 : i64, scratch_operands = 2 : i64, tpu.core_type = #tpu.core_type<sc_vector_subcore>, window_params = [{transform_indices = #map}, {transform_indices = #map1}]} {
    %mul3A = arith.constant 16 : i32
    %mul3A_0 = arith.muli %arg0, %mul3A : i32
    %add3A = arith.addi %mul3A_0, %arg1 : i32
    %add3A_1 = arith.constant 160 : i32
    %add3A_2 = arith.addi %add3A_1, %add3A : i32
    "tpu.region"() ({
      %run_scoped3A = tpu.sem_alloc : memref<!tpu.dma_semaphore, #tpu.memory_space<semaphore_mem>>
      %dma_start3A = arith.constant 0 : i32
      %dma_start3A_12 = arith.constant 0 : i32
      %dma_start3A_13 = tpu.memref_slice %arg2[%add3A_2, %dma_start3A, %dma_start3A_12] : memref<192x224x224xf32, #tpu.memory_space<hbm>> -> memref<1x224x224xf32, #tpu.memory_space<hbm>>
      %dma_start3A_14 = tpu.memref_squeeze %dma_start3A_13 : memref<1x224x224xf32, #tpu.memory_space<hbm>> -> memref<224x224xf32, #tpu.memory_space<hbm>>
      %dma_start3A_15 = arith.constant 0 : i32
      %dma_start3A_16 = arith.constant 0 : i32
      %dma_start3A_17 = tpu.memref_slice %arg2[%add3A_2, %dma_start3A_15, %dma_start3A_16] : memref<192x224x224xf32, #tpu.memory_space<hbm>> -> memref<1x224x224xf32, #tpu.memory_space<hbm>>
      %dma_start3A_18 = tpu.memref_squeeze %dma_start3A_17 : memref<1x224x224xf32, #tpu.memory_space<hbm>> -> memref<224x224xf32, #tpu.memory_space<hbm>>
      tpu.enqueue_dma source(%dma_start3A_18 : memref<224x224xf32, #tpu.memory_space<hbm>>) target(%arg4 : memref<224x224xf32, #tpu.memory_space<vmem>>) target_semaphore(%run_scoped3A : memref<!tpu.dma_semaphore, #tpu.memory_space<semaphore_mem>>)
      %dma_wait3A = arith.constant 0 : i32
      %dma_wait3A_19 = arith.constant 0 : i32
      %dma_wait3A_20 = tpu.memref_slice %arg2[%add3A_2, %dma_wait3A, %dma_wait3A_19] : memref<192x224x224xf32, #tpu.memory_space<hbm>> -> memref<1x224x224xf32, #tpu.memory_space<hbm>>
      %dma_wait3A_21 = tpu.memref_squeeze %dma_wait3A_20 : memref<1x224x224xf32, #tpu.memory_space<hbm>> -> memref<224x224xf32, #tpu.memory_space<hbm>>
      %dma_wait3A_22 = arith.constant 0 : i32
      %dma_wait3A_23 = arith.constant 0 : i32
      %dma_wait3A_24 = tpu.memref_slice %arg2[%add3A_2, %dma_wait3A_22, %dma_wait3A_23] : memref<192x224x224xf32, #tpu.memory_space<hbm>> -> memref<1x224x224xf32, #tpu.memory_space<hbm>>
      %dma_wait3A_25 = tpu.memref_squeeze %dma_wait3A_24 : memref<1x224x224xf32, #tpu.memory_space<hbm>> -> memref<224x224xf32, #tpu.memory_space<hbm>>
      tpu.wait_dma2 semaphore(%run_scoped3A : memref<!tpu.dma_semaphore, #tpu.memory_space<semaphore_mem>>) src(%dma_wait3A_25 : memref<224x224xf32, #tpu.memory_space<hbm>>) dst(%arg4 : memref<224x224xf32, #tpu.memory_space<vmem>>)
      tpu.yield
    }) : () -> ()
    %broadcast_in_dim3A = arith.constant 0.000000e+00 : f32
    %broadcast_in_dim3A_3 = vector.broadcast %broadcast_in_dim3A : f32 to vector<16xf32>
    %scan3A = arith.constant 0 : i32
    %scan3A_4 = arith.constant 224 : i32
    %scan3A_5 = arith.addi %scan3A, %scan3A_4 : i32
    %scan3A_6 = arith.constant 1 : i32
    %scan3A_7 = scf.for %scan3A_12 = %scan3A to %scan3A_5 step %scan3A_6 iter_args(%scan3A_13 = %broadcast_in_dim3A_3) -> (vector<16xf32>)  : i32 {
      %get3A = arith.index_cast %scan3A_12 : i32 to index
      %get3A_14 = arith.constant 0 : index
      %get3A_15 = tpu.vector_load %arg4[%get3A, %get3A_14] {strides = array<i32>} : memref<224x224xf32, #tpu.memory_space<vmem>>, vector<1x16xf32>,
      %get3A_16 = vector.shape_cast %get3A_15 : vector<1x16xf32> to vector<16xf32>
      %add3A_17 = arith.addf %scan3A_13, %get3A_16 : vector<16xf32>
      %get3A_18 = arith.index_cast %scan3A_12 : i32 to index
      %get3A_19 = arith.constant 16 : index
      %get3A_20 = tpu.vector_load %arg4[%get3A_18, %get3A_19] {strides = array<i32>} : memref<224x224xf32, #tpu.memory_space<vmem>>, vector<1x16xf32>,
      %get3A_21 = vector.shape_cast %get3A_20 : vector<1x16xf32> to vector<16xf32>
      %add3A_22 = arith.addf %add3A_17, %get3A_21 : vector<16xf32>
      %get3A_23 = arith.index_cast %scan3A_12 : i32 to index
      %get3A_24 = arith.constant 32 : index
      %get3A_25 = tpu.vector_load %arg4[%get3A_23, %get3A_24] {strides = array<i32>} : memref<224x224xf32, #tpu.memory_space<vmem>>, vector<1x16xf32>,
      %get3A_26 = vector.shape_cast %get3A_25 : vector<1x16xf32> to vector<16xf32>
      %add3A_27 = arith.addf %add3A_22, %get3A_26 : vector<16xf32>
      %get3A_28 = arith.index_cast %scan3A_12 : i32 to index
      %get3A_29 = arith.constant 48 : index
      %get3A_30 = tpu.vector_load %arg4[%get3A_28, %get3A_29] {strides = array<i32>} : memref<224x224xf32, #tpu.memory_space<vmem>>, vector<1x16xf32>,
      %get3A_31 = vector.shape_cast %get3A_30 : vector<1x16xf32> to vector<16xf32>
      %add3A_32 = arith.addf %add3A_27, %get3A_31 : vector<16xf32>
      %get3A_33 = arith.index_cast %scan3A_12 : i32 to index
      %get3A_34 = arith.constant 64 : index
      %get3A_35 = tpu.vector_load %arg4[%get3A_33, %get3A_34] {strides = array<i32>} : memref<224x224xf32, #tpu.memory_space<vmem>>, vector<1x16xf32>,
      %get3A_36 = vector.shape_cast %get3A_35 : vector<1x16xf32> to vector<16xf32>
      %add3A_37 = arith.addf %add3A_32, %get3A_36 : vector<16xf32>
      %get3A_38 = arith.index_cast %scan3A_12 : i32 to index
      %get3A_39 = arith.constant 80 : index
      %get3A_40 = tpu.vector_load %arg4[%get3A_38, %get3A_39] {strides = array<i32>} : memref<224x224xf32, #tpu.memory_space<vmem>>, vector<1x16xf32>,
      %get3A_41 = vector.shape_cast %get3A_40 : vector<1x16xf32> to vector<16xf32>
      %add3A_42 = arith.addf %add3A_37, %get3A_41 : vector<16xf32>
      %get3A_43 = arith.index_cast %scan3A_12 : i32 to index
      %get3A_44 = arith.constant 96 : index
      %get3A_45 = tpu.vector_load %arg4[%get3A_43, %get3A_44] {strides = array<i32>} : memref<224x224xf32, #tpu.memory_space<vmem>>, vector<1x16xf32>,
      %get3A_46 = vector.shape_cast %get3A_45 : vector<1x16xf32> to vector<16xf32>
      %add3A_47 = arith.addf %add3A_42, %get3A_46 : vector<16xf32>
      %get3A_48 = arith.index_cast %scan3A_12 : i32 to index
      %get3A_49 = arith.constant 112 : index
      %get3A_50 = tpu.vector_load %arg4[%get3A_48, %get3A_49] {strides = array<i32>} : memref<224x224xf32, #tpu.memory_space<vmem>>, vector<1x16xf32>,
      %get3A_51 = vector.shape_cast %get3A_50 : vector<1x16xf32> to vector<16xf32>
      %add3A_52 = arith.addf %add3A_47, %get3A_51 : vector<16xf32>
      %get3A_53 = arith.index_cast %scan3A_12 : i32 to index
      %get3A_54 = arith.constant 128 : index
      %get3A_55 = tpu.vector_load %arg4[%get3A_53, %get3A_54] {strides = array<i32>} : memref<224x224xf32, #tpu.memory_space<vmem>>, vector<1x16xf32>,
      %get3A_56 = vector.shape_cast %get3A_55 : vector<1x16xf32> to vector<16xf32>
      %add3A_57 = arith.addf %add3A_52, %get3A_56 : vector<16xf32>
      %get3A_58 = arith.index_cast %scan3A_12 : i32 to index
      %get3A_59 = arith.constant 144 : index
      %get3A_60 = tpu.vector_load %arg4[%get3A_58, %get3A_59] {strides = array<i32>} : memref<224x224xf32, #tpu.memory_space<vmem>>, vector<1x16xf32>,
      %get3A_61 = vector.shape_cast %get3A_60 : vector<1x16xf32> to vector<16xf32>
      %add3A_62 = arith.addf %add3A_57, %get3A_61 : vector<16xf32>
      %get3A_63 = arith.index_cast %scan3A_12 : i32 to index
      %get3A_64 = arith.constant 160 : index
      %get3A_65 = tpu.vector_load %arg4[%get3A_63, %get3A_64] {strides = array<i32>} : memref<224x224xf32, #tpu.memory_space<vmem>>, vector<1x16xf32>,
      %get3A_66 = vector.shape_cast %get3A_65 : vector<1x16xf32> to vector<16xf32>
      %add3A_67 = arith.addf %add3A_62, %get3A_66 : vector<16xf32>
      %get3A_68 = arith.index_cast %scan3A_12 : i32 to index
      %get3A_69 = arith.constant 176 : index
      %get3A_70 = tpu.vector_load %arg4[%get3A_68, %get3A_69] {strides = array<i32>} : memref<224x224xf32, #tpu.memory_space<vmem>>, vector<1x16xf32>,
      %get3A_71 = vector.shape_cast %get3A_70 : vector<1x16xf32> to vector<16xf32>
      %add3A_72 = arith.addf %add3A_67, %get3A_71 : vector<16xf32>
      %get3A_73 = arith.index_cast %scan3A_12 : i32 to index
      %get3A_74 = arith.constant 192 : index
      %get3A_75 = tpu.vector_load %arg4[%get3A_73, %get3A_74] {strides = array<i32>} : memref<224x224xf32, #tpu.memory_space<vmem>>, vector<1x16xf32>,
      %get3A_76 = vector.shape_cast %get3A_75 : vector<1x16xf32> to vector<16xf32>
      %add3A_77 = arith.addf %add3A_72, %get3A_76 : vector<16xf32>
      %get3A_78 = arith.index_cast %scan3A_12 : i32 to index
      %get3A_79 = arith.constant 208 : index
      %get3A_80 = tpu.vector_load %arg4[%get3A_78, %get3A_79] {strides = array<i32>} : memref<224x224xf32, #tpu.memory_space<vmem>>, vector<1x16xf32>,
      %get3A_81 = vector.shape_cast %get3A_80 : vector<1x16xf32> to vector<16xf32>
      %add3A_82 = arith.addf %add3A_77, %get3A_81 : vector<16xf32>
      scf.yield %add3A_82 : vector<16xf32>
    }
    %scan3A_8 = arith.constant 224 : i32
    %swap3A = arith.constant 0 : index
    %swap3A_9 = tpu.vector_load %arg5[%swap3A] {strides = array<i32>} : memref<16xf32, #tpu.memory_space<vmem>>, vector<16xf32>,
    %swap3A_10 = vector.shape_cast %swap3A_9 : vector<16xf32> to vector<16xf32>
    %swap3A_11 = vector.shape_cast %scan3A_7 : vector<16xf32> to vector<16xf32>
    tpu.vector_store %arg5[%swap3A], %swap3A_11 {strides = array<i32>} : memref<16xf32, #tpu.memory_space<vmem>>, vector<16xf32>,
    "tpu.region"() ({
      %run_scoped3A = tpu.sem_alloc : memref<!tpu.dma_semaphore, #tpu.memory_space<semaphore_mem>>
      %dma_start3A = arith.constant 0 : i32
      %dma_start3A_12 = tpu.memref_slice %arg3[%add3A, %dma_start3A] : memref<32x16xf32, #tpu.memory_space<hbm>> -> memref<1x16xf32, #tpu.memory_space<hbm>>
      %dma_start3A_13 = tpu.memref_squeeze %dma_start3A_12 : memref<1x16xf32, #tpu.memory_space<hbm>> -> memref<16xf32, #tpu.memory_space<hbm>>
      %dma_start3A_14 = arith.constant 0 : i32
      %dma_start3A_15 = tpu.memref_slice %arg3[%add3A, %dma_start3A_14] : memref<32x16xf32, #tpu.memory_space<hbm>> -> memref<1x16xf32, #tpu.memory_space<hbm>>
      %dma_start3A_16 = tpu.memref_squeeze %dma_start3A_15 : memref<1x16xf32, #tpu.memory_space<hbm>> -> memref<16xf32, #tpu.memory_space<hbm>>
      tpu.enqueue_dma source(%arg5 : memref<16xf32, #tpu.memory_space<vmem>>) target(%dma_start3A_16 : memref<16xf32, #tpu.memory_space<hbm>>) target_semaphore(%run_scoped3A : memref<!tpu.dma_semaphore, #tpu.memory_space<semaphore_mem>>)
      %dma_wait3A = arith.constant 0 : i32
      %dma_wait3A_17 = tpu.memref_slice %arg3[%add3A, %dma_wait3A] : memref<32x16xf32, #tpu.memory_space<hbm>> -> memref<1x16xf32, #tpu.memory_space<hbm>>
      %dma_wait3A_18 = tpu.memref_squeeze %dma_wait3A_17 : memref<1x16xf32, #tpu.memory_space<hbm>> -> memref<16xf32, #tpu.memory_space<hbm>>
      %dma_wait3A_19 = arith.constant 0 : i32
      %dma_wait3A_20 = tpu.memref_slice %arg3[%add3A, %dma_wait3A_19] : memref<32x16xf32, #tpu.memory_space<hbm>> -> memref<1x16xf32, #tpu.memory_space<hbm>>
      %dma_wait3A_21 = tpu.memref_squeeze %dma_wait3A_20 : memref<1x16xf32, #tpu.memory_space<hbm>> -> memref<16xf32, #tpu.memory_space<hbm>>
      tpu.wait_dma2 semaphore(%run_scoped3A : memref<!tpu.dma_semaphore, #tpu.memory_space<semaphore_mem>>) src(%arg5 : memref<16xf32, #tpu.memory_space<vmem>>) dst(%dma_wait3A_21 : memref<16xf32, #tpu.memory_space<hbm>>)
      tpu.yield
    }) : () -> ()
    return
  }
}

module attributes {stable_mosaic.version = 14 : i64} {
  func.func @_head_body(%arg0: memref<160x1xf32, #tpu.memory_space<vmem>>, %arg1: memref<32x16xf32, #tpu.memory_space<vmem>>, %arg2: memref<3x128xf32, #tpu.memory_space<vmem>>, %arg3: memref<1x128xf32, #tpu.memory_space<vmem>>, %arg4: memref<128x128xf32, #tpu.memory_space<vmem>>, %arg5: memref<3x128xf32, #tpu.memory_space<vmem>>, %arg6: memref<1x128xf32, #tpu.memory_space<vmem>>, %arg7: memref<128x256xf32, #tpu.memory_space<vmem>>, %arg8: memref<1x256xf32, #tpu.memory_space<vmem>>, %arg9: memref<256x2xf32, #tpu.memory_space<vmem>>, %arg10: memref<1x2xf32, #tpu.memory_space<vmem>>, %arg11: memref<4x128xf32, #tpu.memory_space<vmem>>, %arg12: memref<4x2xf32, #tpu.memory_space<vmem>>, %arg13: memref<4x16xf32, #tpu.memory_space<vmem>>, %arg14: memref<4x16xf32, #tpu.memory_space<vmem>>, %arg15: memref<4x3xi32, #tpu.memory_space<vmem>>) attributes {dimension_semantics = [], scalar_prefetch = 0 : i64, scratch_operands = 0 : i64, tpu.core_type = #tpu.core_type<tc>} {
    %get3A = arith.constant 0 : index
    %get3A_0 = arith.constant 0 : index
    %get3A_1 = vector.load %arg1[%get3A, %get3A_0] : memref<32x16xf32, #tpu.memory_space<vmem>>, vector<32x16xf32>
    %reduce_sum3A = arith.constant dense<0.000000e+00> : vector<32xf32>
    %reduce_sum3A_2 = vector.multi_reduction <add>, %get3A_1, %reduce_sum3A [1] : vector<32x16xf32> to vector<32xf32>
    %broadcast_in_dim3A = vector.shape_cast %reduce_sum3A_2 : vector<32xf32> to vector<32x1xf32>
    %get3A_3 = arith.constant 0 : index
    %get3A_4 = arith.constant 0 : index
    %get3A_5 = vector.load %arg0[%get3A_3, %get3A_4] : memref<160x1xf32, #tpu.memory_space<vmem>>, vector<160x1xf32>
    %concatenate3A = tpu.concatenate %get3A_5, %broadcast_in_dim3A in 0 : vector<160x1xf32>, vector<32x1xf32> -> vector<192x1xf32>
    %mul3A = arith.constant 1.99298465E-5 : f32
    %mul3A_6 = vector.broadcast %mul3A : f32 to vector<192x1xf32>
    %mul3A_7 = arith.mulf %concatenate3A, %mul3A_6 : vector<192x1xf32>
    %iota3A = tpu.iota {dimensions = array<i32: 1>} : vector<64x192xi32>
    %iota3A_8 = tpu.iota {dimensions = array<i32: 0>} : vector<64x192xi32>
    %jit3A = arith.constant 3 : i32
    %div3A = vector.broadcast %jit3A : i32 to vector<64x192xi32>
    %div3A_9 = arith.divsi %iota3A, %div3A : vector<64x192xi32>
    %sign3A = arith.constant 0 : i32
    %sign3A_10 = vector.broadcast %sign3A : i32 to vector<64x192xi32>
    %sign3A_11 = arith.cmpi sgt, %iota3A, %sign3A_10 : vector<64x192xi32>
    %sign3A_12 = arith.extui %sign3A_11 : vector<64x192xi1> to vector<64x192xi32>
    %sign3A_13 = arith.constant 0 : i32
    %sign3A_14 = vector.broadcast %sign3A_13 : i32 to vector<64x192xi32>
    %sign3A_15 = arith.cmpi slt, %iota3A, %sign3A_14 : vector<64x192xi32>
    %sign3A_16 = arith.extui %sign3A_15 : vector<64x192xi1> to vector<64x192xi32>
    %sign3A_17 = arith.subi %sign3A_12, %sign3A_16 : vector<64x192xi32>
    %sign3A_18 = arith.constant 0 : i32
    %sign3A_19 = arith.cmpi sgt, %jit3A, %sign3A_18 : i32
    %sign3A_20 = arith.extui %sign3A_19 : i1 to i32
    %sign3A_21 = arith.constant 0 : i32
    %sign3A_22 = arith.cmpi slt, %jit3A, %sign3A_21 : i32
    %sign3A_23 = arith.extui %sign3A_22 : i1 to i32
    %sign3A_24 = arith.subi %sign3A_20, %sign3A_23 : i32
    %ne3A = vector.broadcast %sign3A_24 : i32 to vector<64x192xi32>
    %ne3A_25 = arith.cmpi ne, %sign3A_17, %ne3A : vector<64x192xi32>
    %rem3A = vector.broadcast %jit3A : i32 to vector<64x192xi32>
    %rem3A_26 = arith.remsi %iota3A, %rem3A : vector<64x192xi32>
    %ne3A_27 = arith.constant 0 : i32
    %ne3A_28 = vector.broadcast %ne3A_27 : i32 to vector<64x192xi32>
    %ne3A_29 = arith.cmpi ne, %rem3A_26, %ne3A_28 : vector<64x192xi32>
    %and3A = arith.andi %ne3A_25, %ne3A_29 : vector<64x192xi1>
    %sub3A = arith.constant 1 : i32
    %sub3A_30 = vector.broadcast %sub3A : i32 to vector<64x192xi32>
    %sub3A_31 = arith.subi %div3A_9, %sub3A_30 : vector<64x192xi32>
    %select_n3A = arith.select %and3A, %sub3A_31, %div3A_9 : vector<64x192xi1>, vector<64x192xi32>
    %eq3A = arith.cmpi eq, %select_n3A, %iota3A_8 : vector<64x192xi32>
    %convert_element_type3A = arith.extui %eq3A : vector<64x192xi1> to vector<64x192xi32>
    %convert_element_type3A_32 = arith.sitofp %convert_element_type3A : vector<64x192xi32> to vector<64x192xf32>
    %iota3A_33 = tpu.iota {dimensions = array<i32: 0>} : vector<192x3xi32>
    %jit3A_34 = arith.constant 3 : i32
    %eq3A_35 = arith.constant 0 : i32
    %eq3A_36 = arith.cmpi eq, %jit3A_34, %eq3A_35 : i32
    %jit3A_37 = arith.constant 1 : i32
    %select_n3A_38 = arith.select %eq3A_36, %jit3A_37, %jit3A_34 : i32
    %rem3A_39 = vector.broadcast %select_n3A_38 : i32 to vector<192x3xi32>
    %rem3A_40 = arith.remsi %iota3A_33, %rem3A_39 : vector<192x3xi32>
    %ne3A_41 = arith.constant 0 : i32
    %ne3A_42 = vector.broadcast %ne3A_41 : i32 to vector<192x3xi32>
    %ne3A_43 = arith.cmpi ne, %rem3A_40, %ne3A_42 : vector<192x3xi32>
    %lt3A = arith.constant 0 : i32
    %lt3A_44 = vector.broadcast %lt3A : i32 to vector<192x3xi32>
    %lt3A_45 = arith.cmpi slt, %rem3A_40, %lt3A_44 : vector<192x3xi32>
    %lt3A_46 = arith.constant 0 : i32
    %lt3A_47 = arith.cmpi slt, %select_n3A_38, %lt3A_46 : i32
    %ne3A_48 = vector.broadcast %lt3A_47 : i1 to vector<192x3xi1>
    %ne3A_49 = vector.broadcast %ne3A_48 : vector<192x3xi1> to vector<192x3xi1>
    %ne3A_50 = arith.xori %lt3A_45, %ne3A_49 : vector<192x3xi1>
    %and3A_51 = arith.andi %ne3A_50, %ne3A_43 : vector<192x3xi1>
    %add3A = vector.broadcast %select_n3A_38 : i32 to vector<192x3xi32>
    %add3A_52 = arith.addi %rem3A_40, %add3A : vector<192x3xi32>
    %select_n3A_53 = arith.select %and3A_51, %add3A_52, %rem3A_40 : vector<192x3xi1>, vector<192x3xi32>
    %iota3A_54 = tpu.iota {dimensions = array<i32: 1>} : vector<192x3xi32>
    %eq3A_55 = arith.cmpi eq, %select_n3A_53, %iota3A_54 : vector<192x3xi32>
    %convert_element_type3A_56 = arith.extui %eq3A_55 : vector<192x3xi1> to vector<192x3xi32>
    %convert_element_type3A_57 = arith.sitofp %convert_element_type3A_56 : vector<192x3xi32> to vector<192x3xf32>
    %mul3A_58 = vector.broadcast %mul3A_7 : vector<192x1xf32> to vector<192x3xf32>
    %mul3A_59 = arith.mulf %mul3A_58, %convert_element_type3A_57 : vector<192x3xf32>
    %dot_general3A = arith.constant dense<0.000000e+00> : vector<64x3xf32>
    %dot_general3A_60 = tpu.matmul %convert_element_type3A_32, %mul3A_59, %dot_general3A {dimension_numbers = #tpu.dot_dimension_numbers<[1], [0], [0], [1], [0, 0, 1, 1], [], []>, transpose_lhs_hint = false} : vector<64x192xf32>, vector<192x3xf32>, vector<64x3xf32> -> vector<64x3xf32>
    %get3A_61 = arith.constant 0 : index
    %get3A_62 = arith.constant 0 : index
    %get3A_63 = vector.load %arg2[%get3A_61, %get3A_62] : memref<3x128xf32, #tpu.memory_space<vmem>>, vector<3x128xf32>
    %dot_general3A_64 = arith.constant dense<0.000000e+00> : vector<64x128xf32>
    %dot_general3A_65 = tpu.matmul %dot_general3A_60, %get3A_63, %dot_general3A_64 {dimension_numbers = #tpu.dot_dimension_numbers<[1], [0], [0], [1], [0, 0, 1, 1], [], []>, transpose_lhs_hint = false} : vector<64x3xf32>, vector<3x128xf32>, vector<64x128xf32> -> vector<64x128xf32>
    %get3A_66 = arith.constant 0 : index
    %get3A_67 = arith.constant 0 : index
    %get3A_68 = vector.load %arg3[%get3A_66, %get3A_67] : memref<1x128xf32, #tpu.memory_space<vmem>>, vector<1x128xf32>
    %add3A_69 = vector.broadcast %get3A_68 : vector<1x128xf32> to vector<64x128xf32>
    %add3A_70 = arith.addf %dot_general3A_65, %add3A_69 : vector<64x128xf32>
    %max3A = arith.constant 0.000000e+00 : f32
    %max3A_71 = vector.broadcast %max3A : f32 to vector<64x128xf32>
    %max3A_72 = arith.maximumf %add3A_70, %max3A_71 : vector<64x128xf32>
    %iota3A_73 = tpu.iota {dimensions = array<i32: 0>} : vector<64x4xi32>
    %jit3A_74 = arith.constant 16 : i32
    %div3A_75 = vector.broadcast %jit3A_74 : i32 to vector<64x4xi32>
    %div3A_76 = arith.divsi %iota3A_73, %div3A_75 : vector<64x4xi32>
    %sign3A_77 = arith.constant 0 : i32
    %sign3A_78 = vector.broadcast %sign3A_77 : i32 to vector<64x4xi32>
    %sign3A_79 = arith.cmpi sgt, %iota3A_73, %sign3A_78 : vector<64x4xi32>
    %sign3A_80 = arith.extui %sign3A_79 : vector<64x4xi1> to vector<64x4xi32>
    %sign3A_81 = arith.constant 0 : i32
    %sign3A_82 = vector.broadcast %sign3A_81 : i32 to vector<64x4xi32>
    %sign3A_83 = arith.cmpi slt, %iota3A_73, %sign3A_82 : vector<64x4xi32>
    %sign3A_84 = arith.extui %sign3A_83 : vector<64x4xi1> to vector<64x4xi32>
    %sign3A_85 = arith.subi %sign3A_80, %sign3A_84 : vector<64x4xi32>
    %sign3A_86 = arith.constant 0 : i32
    %sign3A_87 = arith.cmpi sgt, %jit3A_74, %sign3A_86 : i32
    %sign3A_88 = arith.extui %sign3A_87 : i1 to i32
    %sign3A_89 = arith.constant 0 : i32
    %sign3A_90 = arith.cmpi slt, %jit3A_74, %sign3A_89 : i32
    %sign3A_91 = arith.extui %sign3A_90 : i1 to i32
    %sign3A_92 = arith.subi %sign3A_88, %sign3A_91 : i32
    %ne3A_93 = vector.broadcast %sign3A_92 : i32 to vector<64x4xi32>
    %ne3A_94 = arith.cmpi ne, %sign3A_85, %ne3A_93 : vector<64x4xi32>
    %rem3A_95 = vector.broadcast %jit3A_74 : i32 to vector<64x4xi32>
    %rem3A_96 = arith.remsi %iota3A_73, %rem3A_95 : vector<64x4xi32>
    %ne3A_97 = arith.constant 0 : i32
    %ne3A_98 = vector.broadcast %ne3A_97 : i32 to vector<64x4xi32>
    %ne3A_99 = arith.cmpi ne, %rem3A_96, %ne3A_98 : vector<64x4xi32>
    %and3A_100 = arith.andi %ne3A_94, %ne3A_99 : vector<64x4xi1>
    %sub3A_101 = arith.constant 1 : i32
    %sub3A_102 = vector.broadcast %sub3A_101 : i32 to vector<64x4xi32>
    %sub3A_103 = arith.subi %div3A_76, %sub3A_102 : vector<64x4xi32>
    %select_n3A_104 = arith.select %and3A_100, %sub3A_103, %div3A_76 : vector<64x4xi1>, vector<64x4xi32>
    %iota3A_105 = tpu.iota {dimensions = array<i32: 1>} : vector<64x4xi32>
    %eq3A_106 = arith.cmpi eq, %select_n3A_104, %iota3A_105 : vector<64x4xi32>
    %convert_element_type3A_107 = arith.extui %eq3A_106 : vector<64x4xi1> to vector<64x4xi32>
    %convert_element_type3A_108 = arith.sitofp %convert_element_type3A_107 : vector<64x4xi32> to vector<64x4xf32>
    %iota3A_109 = tpu.iota {dimensions = array<i32: 1>} : vector<4x64xi32>
    %jit3A_110 = arith.constant 16 : i32
    %div3A_111 = vector.broadcast %jit3A_110 : i32 to vector<4x64xi32>
    %div3A_112 = arith.divsi %iota3A_109, %div3A_111 : vector<4x64xi32>
    %sign3A_113 = arith.constant 0 : i32
    %sign3A_114 = vector.broadcast %sign3A_113 : i32 to vector<4x64xi32>
    %sign3A_115 = arith.cmpi sgt, %iota3A_109, %sign3A_114 : vector<4x64xi32>
    %sign3A_116 = arith.extui %sign3A_115 : vector<4x64xi1> to vector<4x64xi32>
    %sign3A_117 = arith.constant 0 : i32
    %sign3A_118 = vector.broadcast %sign3A_117 : i32 to vector<4x64xi32>
    %sign3A_119 = arith.cmpi slt, %iota3A_109, %sign3A_118 : vector<4x64xi32>
    %sign3A_120 = arith.extui %sign3A_119 : vector<4x64xi1> to vector<4x64xi32>
    %sign3A_121 = arith.subi %sign3A_116, %sign3A_120 : vector<4x64xi32>
    %sign3A_122 = arith.constant 0 : i32
    %sign3A_123 = arith.cmpi sgt, %jit3A_110, %sign3A_122 : i32
    %sign3A_124 = arith.extui %sign3A_123 : i1 to i32
    %sign3A_125 = arith.constant 0 : i32
    %sign3A_126 = arith.cmpi slt, %jit3A_110, %sign3A_125 : i32
    %sign3A_127 = arith.extui %sign3A_126 : i1 to i32
    %sign3A_128 = arith.subi %sign3A_124, %sign3A_127 : i32
    %ne3A_129 = vector.broadcast %sign3A_128 : i32 to vector<4x64xi32>
    %ne3A_130 = arith.cmpi ne, %sign3A_121, %ne3A_129 : vector<4x64xi32>
    %rem3A_131 = vector.broadcast %jit3A_110 : i32 to vector<4x64xi32>
    %rem3A_132 = arith.remsi %iota3A_109, %rem3A_131 : vector<4x64xi32>
    %ne3A_133 = arith.constant 0 : i32
    %ne3A_134 = vector.broadcast %ne3A_133 : i32 to vector<4x64xi32>
    %ne3A_135 = arith.cmpi ne, %rem3A_132, %ne3A_134 : vector<4x64xi32>
    %and3A_136 = arith.andi %ne3A_130, %ne3A_135 : vector<4x64xi1>
    %sub3A_137 = arith.constant 1 : i32
    %sub3A_138 = vector.broadcast %sub3A_137 : i32 to vector<4x64xi32>
    %sub3A_139 = arith.subi %div3A_112, %sub3A_138 : vector<4x64xi32>
    %select_n3A_140 = arith.select %and3A_136, %sub3A_139, %div3A_112 : vector<4x64xi1>, vector<4x64xi32>
    %iota3A_141 = tpu.iota {dimensions = array<i32: 0>} : vector<4x64xi32>
    %eq3A_142 = arith.cmpi eq, %select_n3A_140, %iota3A_141 : vector<4x64xi32>
    %convert_element_type3A_143 = arith.extui %eq3A_142 : vector<4x64xi1> to vector<4x64xi32>
    %convert_element_type3A_144 = arith.sitofp %convert_element_type3A_143 : vector<4x64xi32> to vector<4x64xf32>
    %iota3A_145 = tpu.iota {dimensions = array<i32: 0>} : vector<64x16xi32>
    %jit3A_146 = arith.constant 16 : i32
    %eq3A_147 = arith.constant 0 : i32
    %eq3A_148 = arith.cmpi eq, %jit3A_146, %eq3A_147 : i32
    %jit3A_149 = arith.constant 1 : i32
    %select_n3A_150 = arith.select %eq3A_148, %jit3A_149, %jit3A_146 : i32
    %rem3A_151 = vector.broadcast %select_n3A_150 : i32 to vector<64x16xi32>
    %rem3A_152 = arith.remsi %iota3A_145, %rem3A_151 : vector<64x16xi32>
    %ne3A_153 = arith.constant 0 : i32
    %ne3A_154 = vector.broadcast %ne3A_153 : i32 to vector<64x16xi32>
    %ne3A_155 = arith.cmpi ne, %rem3A_152, %ne3A_154 : vector<64x16xi32>
    %lt3A_156 = arith.constant 0 : i32
    %lt3A_157 = vector.broadcast %lt3A_156 : i32 to vector<64x16xi32>
    %lt3A_158 = arith.cmpi slt, %rem3A_152, %lt3A_157 : vector<64x16xi32>
    %lt3A_159 = arith.constant 0 : i32
    %lt3A_160 = arith.cmpi slt, %select_n3A_150, %lt3A_159 : i32
    %ne3A_161 = vector.broadcast %lt3A_160 : i1 to vector<64x16xi1>
    %ne3A_162 = vector.broadcast %ne3A_161 : vector<64x16xi1> to vector<64x16xi1>
    %ne3A_163 = arith.xori %lt3A_158, %ne3A_162 : vector<64x16xi1>
    %and3A_164 = arith.andi %ne3A_163, %ne3A_155 : vector<64x16xi1>
    %add3A_165 = vector.broadcast %select_n3A_150 : i32 to vector<64x16xi32>
    %add3A_166 = arith.addi %rem3A_152, %add3A_165 : vector<64x16xi32>
    %select_n3A_167 = arith.select %and3A_164, %add3A_166, %rem3A_152 : vector<64x16xi1>, vector<64x16xi32>
    %iota3A_168 = tpu.iota {dimensions = array<i32: 1>} : vector<64x16xi32>
    %eq3A_169 = arith.cmpi eq, %select_n3A_167, %iota3A_168 : vector<64x16xi32>
    %convert_element_type3A_170 = arith.extui %eq3A_169 : vector<64x16xi1> to vector<64x16xi32>
    %convert_element_type3A_171 = arith.sitofp %convert_element_type3A_170 : vector<64x16xi32> to vector<64x16xf32>
    %get3A_172 = arith.constant 0 : index
    %get3A_173 = arith.constant 0 : index
    %get3A_174 = vector.load %arg11[%get3A_172, %get3A_173] : memref<4x128xf32, #tpu.memory_space<vmem>>, vector<4x128xf32>
    %get3A_175 = arith.constant 0 : index
    %get3A_176 = arith.constant 0 : index
    %get3A_177 = vector.load %arg4[%get3A_175, %get3A_176] : memref<128x128xf32, #tpu.memory_space<vmem>>, vector<128x128xf32>
    %dot_general3A_178 = arith.constant dense<0.000000e+00> : vector<4x128xf32>
    %dot_general3A_179 = tpu.matmul %get3A_174, %get3A_177, %dot_general3A_178 {dimension_numbers = #tpu.dot_dimension_numbers<[1], [0], [0], [1], [0, 0, 1, 1], [], []>, transpose_lhs_hint = false} : vector<4x128xf32>, vector<128x128xf32>, vector<4x128xf32> -> vector<4x128xf32>
    %dot_general3A_180 = arith.constant dense<0.000000e+00> : vector<64x128xf32>
    %dot_general3A_181 = tpu.matmul %convert_element_type3A_108, %dot_general3A_179, %dot_general3A_180 {dimension_numbers = #tpu.dot_dimension_numbers<[1], [0], [0], [1], [0, 0, 1, 1], [], []>, transpose_lhs_hint = false} : vector<64x4xf32>, vector<4x128xf32>, vector<64x128xf32> -> vector<64x128xf32>
    %mul3A_182 = arith.mulf %max3A_72, %dot_general3A_181 : vector<64x128xf32>
    %reduce_sum3A_183 = arith.constant dense<0.000000e+00> : vector<64xf32>
    %reduce_sum3A_184 = vector.multi_reduction <add>, %mul3A_182, %reduce_sum3A_183 [1] : vector<64x128xf32> to vector<64xf32>
    %broadcast_in_dim3A_185 = vector.shape_cast %reduce_sum3A_184 : vector<64xf32> to vector<64x1xf32>
    %mul3A_186 = vector.broadcast %broadcast_in_dim3A_185 : vector<64x1xf32> to vector<64x16xf32>
    %mul3A_187 = arith.mulf %mul3A_186, %convert_element_type3A_171 : vector<64x16xf32>
    %dot_general3A_188 = arith.constant dense<0.000000e+00> : vector<4x16xf32>
    %dot_general3A_189 = tpu.matmul %convert_element_type3A_144, %mul3A_187, %dot_general3A_188 {dimension_numbers = #tpu.dot_dimension_numbers<[1], [0], [0], [1], [0, 0, 1, 1], [], []>, transpose_lhs_hint = false} : vector<4x64xf32>, vector<64x16xf32>, vector<4x16xf32> -> vector<4x16xf32>
    %iota3A_190 = tpu.iota {dimensions = array<i32: 1>} : vector<4x16xi32>
    %broadcast_in_dim3A_191 = arith.constant 0.000000e+00 : f32
    %broadcast_in_dim3A_192 = vector.broadcast %broadcast_in_dim3A_191 : f32 to vector<4x16xf32>
    %reduce_max3A = arith.constant dense<0xFF800000> : vector<4xf32>
    %reduce_max3A_193 = vector.multi_reduction <maximumf>, %dot_general3A_189, %reduce_max3A [1] : vector<4x16xf32> to vector<4xf32>
    %broadcast_in_dim3A_194 = vector.shape_cast %reduce_max3A_193 : vector<4xf32> to vector<4x1xf32>
    %eq3A_195 = vector.broadcast %broadcast_in_dim3A_194 : vector<4x1xf32> to vector<4x16xf32>
    %eq3A_196 = arith.cmpf oeq, %dot_general3A_189, %eq3A_195 : vector<4x16xf32>
    %jit3A_197 = arith.constant 16 : i32
    %broadcast_in_dim3A_198 = vector.broadcast %jit3A_197 : i32 to vector<4x16xi32>
    %select_n3A_199 = arith.select %eq3A_196, %iota3A_190, %broadcast_in_dim3A_198 : vector<4x16xi1>, vector<4x16xi32>
    %reduce_min3A = arith.constant dense<2147483647> : vector<4xi32>
    %reduce_min3A_200 = vector.multi_reduction <minsi>, %select_n3A_199, %reduce_min3A [1] : vector<4x16xi32> to vector<4xi32>
    %broadcast_in_dim3A_201 = vector.shape_cast %reduce_min3A_200 : vector<4xi32> to vector<4x1xi32>
    %eq3A_202 = vector.broadcast %broadcast_in_dim3A_201 : vector<4x1xi32> to vector<4x16xi32>
    %eq3A_203 = arith.cmpi eq, %iota3A_190, %eq3A_202 : vector<4x16xi32>
    %jit3A_204 = arith.constant 1.000000e+00 : f32
    %broadcast_in_dim3A_205 = vector.broadcast %jit3A_204 : f32 to vector<4x16xf32>
    %select_n3A_206 = arith.select %eq3A_203, %broadcast_in_dim3A_205, %broadcast_in_dim3A_192 : vector<4x16xi1>, vector<4x16xf32>
    %jit3A_207 = arith.constant 0xFF800000 : f32
    %broadcast_in_dim3A_208 = vector.broadcast %jit3A_207 : f32 to vector<4x16xf32>
    %select_n3A_209 = arith.select %eq3A_203, %broadcast_in_dim3A_208, %dot_general3A_189 : vector<4x16xi1>, vector<4x16xf32>
    %reduce_max3A_210 = arith.constant dense<0xFF800000> : vector<4xf32>
    %reduce_max3A_211 = vector.multi_reduction <maximumf>, %select_n3A_209, %reduce_max3A_210 [1] : vector<4x16xf32> to vector<4xf32>
    %broadcast_in_dim3A_212 = vector.shape_cast %reduce_max3A_211 : vector<4xf32> to vector<4x1xf32>
    %eq3A_213 = vector.broadcast %broadcast_in_dim3A_212 : vector<4x1xf32> to vector<4x16xf32>
    %eq3A_214 = arith.cmpf oeq, %select_n3A_209, %eq3A_213 : vector<4x16xf32>
    %jit3A_215 = arith.constant 16 : i32
    %broadcast_in_dim3A_216 = vector.broadcast %jit3A_215 : i32 to vector<4x16xi32>
    %select_n3A_217 = arith.select %eq3A_214, %iota3A_190, %broadcast_in_dim3A_216 : vector<4x16xi1>, vector<4x16xi32>
    %reduce_min3A_218 = arith.constant dense<2147483647> : vector<4xi32>
    %reduce_min3A_219 = vector.multi_reduction <minsi>, %select_n3A_217, %reduce_min3A_218 [1] : vector<4x16xi32> to vector<4xi32>
    %broadcast_in_dim3A_220 = vector.shape_cast %reduce_min3A_219 : vector<4xi32> to vector<4x1xi32>
    %eq3A_221 = vector.broadcast %broadcast_in_dim3A_220 : vector<4x1xi32> to vector<4x16xi32>
    %eq3A_222 = arith.cmpi eq, %iota3A_190, %eq3A_221 : vector<4x16xi32>
    %jit3A_223 = arith.constant 1.000000e+00 : f32
    %broadcast_in_dim3A_224 = vector.broadcast %jit3A_223 : f32 to vector<4x16xf32>
    %select_n3A_225 = arith.select %eq3A_222, %broadcast_in_dim3A_224, %select_n3A_206 : vector<4x16xi1>, vector<4x16xf32>
    %jit3A_226 = arith.constant 0xFF800000 : f32
    %broadcast_in_dim3A_227 = vector.broadcast %jit3A_226 : f32 to vector<4x16xf32>
    %select_n3A_228 = arith.select %eq3A_222, %broadcast_in_dim3A_227, %select_n3A_209 : vector<4x16xi1>, vector<4x16xf32>
    %reduce_max3A_229 = arith.constant dense<0xFF800000> : vector<4xf32>
    %reduce_max3A_230 = vector.multi_reduction <maximumf>, %select_n3A_228, %reduce_max3A_229 [1] : vector<4x16xf32> to vector<4xf32>
    %broadcast_in_dim3A_231 = vector.shape_cast %reduce_max3A_230 : vector<4xf32> to vector<4x1xf32>
    %eq3A_232 = vector.broadcast %broadcast_in_dim3A_231 : vector<4x1xf32> to vector<4x16xf32>
    %eq3A_233 = arith.cmpf oeq, %select_n3A_228, %eq3A_232 : vector<4x16xf32>
    %jit3A_234 = arith.constant 16 : i32
    %broadcast_in_dim3A_235 = vector.broadcast %jit3A_234 : i32 to vector<4x16xi32>
    %select_n3A_236 = arith.select %eq3A_233, %iota3A_190, %broadcast_in_dim3A_235 : vector<4x16xi1>, vector<4x16xi32>
    %reduce_min3A_237 = arith.constant dense<2147483647> : vector<4xi32>
    %reduce_min3A_238 = vector.multi_reduction <minsi>, %select_n3A_236, %reduce_min3A_237 [1] : vector<4x16xi32> to vector<4xi32>
    %broadcast_in_dim3A_239 = vector.shape_cast %reduce_min3A_238 : vector<4xi32> to vector<4x1xi32>
    %eq3A_240 = vector.broadcast %broadcast_in_dim3A_239 : vector<4x1xi32> to vector<4x16xi32>
    %eq3A_241 = arith.cmpi eq, %iota3A_190, %eq3A_240 : vector<4x16xi32>
    %jit3A_242 = arith.constant 1.000000e+00 : f32
    %broadcast_in_dim3A_243 = vector.broadcast %jit3A_242 : f32 to vector<4x16xf32>
    %select_n3A_244 = arith.select %eq3A_241, %broadcast_in_dim3A_243, %select_n3A_225 : vector<4x16xi1>, vector<4x16xf32>
    %jit3A_245 = arith.constant 0xFF800000 : f32
    %broadcast_in_dim3A_246 = vector.broadcast %jit3A_245 : f32 to vector<4x16xf32>
    %select_n3A_247 = arith.select %eq3A_241, %broadcast_in_dim3A_246, %select_n3A_228 : vector<4x16xi1>, vector<4x16xf32>
    %reduce_max3A_248 = arith.constant dense<0xFF800000> : vector<4xf32>
    %reduce_max3A_249 = vector.multi_reduction <maximumf>, %select_n3A_247, %reduce_max3A_248 [1] : vector<4x16xf32> to vector<4xf32>
    %broadcast_in_dim3A_250 = vector.shape_cast %reduce_max3A_249 : vector<4xf32> to vector<4x1xf32>
    %eq3A_251 = vector.broadcast %broadcast_in_dim3A_250 : vector<4x1xf32> to vector<4x16xf32>
    %eq3A_252 = arith.cmpf oeq, %select_n3A_247, %eq3A_251 : vector<4x16xf32>
    %jit3A_253 = arith.constant 16 : i32
    %broadcast_in_dim3A_254 = vector.broadcast %jit3A_253 : i32 to vector<4x16xi32>
    %select_n3A_255 = arith.select %eq3A_252, %iota3A_190, %broadcast_in_dim3A_254 : vector<4x16xi1>, vector<4x16xi32>
    %reduce_min3A_256 = arith.constant dense<2147483647> : vector<4xi32>
    %reduce_min3A_257 = vector.multi_reduction <minsi>, %select_n3A_255, %reduce_min3A_256 [1] : vector<4x16xi32> to vector<4xi32>
    %broadcast_in_dim3A_258 = vector.shape_cast %reduce_min3A_257 : vector<4xi32> to vector<4x1xi32>
    %eq3A_259 = vector.broadcast %broadcast_in_dim3A_258 : vector<4x1xi32> to vector<4x16xi32>
    %eq3A_260 = arith.cmpi eq, %iota3A_190, %eq3A_259 : vector<4x16xi32>
    %jit3A_261 = arith.constant 1.000000e+00 : f32
    %broadcast_in_dim3A_262 = vector.broadcast %jit3A_261 : f32 to vector<4x16xf32>
    %select_n3A_263 = arith.select %eq3A_260, %broadcast_in_dim3A_262, %select_n3A_244 : vector<4x16xi1>, vector<4x16xf32>
    %jit3A_264 = arith.constant 0xFF800000 : f32
    %broadcast_in_dim3A_265 = vector.broadcast %jit3A_264 : f32 to vector<4x16xf32>
    %select_n3A_266 = arith.select %eq3A_260, %broadcast_in_dim3A_265, %select_n3A_247 : vector<4x16xi1>, vector<4x16xf32>
    %reduce_max3A_267 = arith.constant dense<0xFF800000> : vector<4xf32>
    %reduce_max3A_268 = vector.multi_reduction <maximumf>, %select_n3A_266, %reduce_max3A_267 [1] : vector<4x16xf32> to vector<4xf32>
    %broadcast_in_dim3A_269 = vector.shape_cast %reduce_max3A_268 : vector<4xf32> to vector<4x1xf32>
    %eq3A_270 = vector.broadcast %broadcast_in_dim3A_269 : vector<4x1xf32> to vector<4x16xf32>
    %eq3A_271 = arith.cmpf oeq, %select_n3A_266, %eq3A_270 : vector<4x16xf32>
    %jit3A_272 = arith.constant 16 : i32
    %broadcast_in_dim3A_273 = vector.broadcast %jit3A_272 : i32 to vector<4x16xi32>
    %select_n3A_274 = arith.select %eq3A_271, %iota3A_190, %broadcast_in_dim3A_273 : vector<4x16xi1>, vector<4x16xi32>
    %reduce_min3A_275 = arith.constant dense<2147483647> : vector<4xi32>
    %reduce_min3A_276 = vector.multi_reduction <minsi>, %select_n3A_274, %reduce_min3A_275 [1] : vector<4x16xi32> to vector<4xi32>
    %broadcast_in_dim3A_277 = vector.shape_cast %reduce_min3A_276 : vector<4xi32> to vector<4x1xi32>
    %eq3A_278 = vector.broadcast %broadcast_in_dim3A_277 : vector<4x1xi32> to vector<4x16xi32>
    %eq3A_279 = arith.cmpi eq, %iota3A_190, %eq3A_278 : vector<4x16xi32>
    %jit3A_280 = arith.constant 1.000000e+00 : f32
    %broadcast_in_dim3A_281 = vector.broadcast %jit3A_280 : f32 to vector<4x16xf32>
    %select_n3A_282 = arith.select %eq3A_279, %broadcast_in_dim3A_281, %select_n3A_263 : vector<4x16xi1>, vector<4x16xf32>
    %jit3A_283 = arith.constant 0xFF800000 : f32
    %broadcast_in_dim3A_284 = vector.broadcast %jit3A_283 : f32 to vector<4x16xf32>
    %select_n3A_285 = arith.select %eq3A_279, %broadcast_in_dim3A_284, %select_n3A_266 : vector<4x16xi1>, vector<4x16xf32>
    %reduce_max3A_286 = arith.constant dense<0xFF800000> : vector<4xf32>
    %reduce_max3A_287 = vector.multi_reduction <maximumf>, %select_n3A_285, %reduce_max3A_286 [1] : vector<4x16xf32> to vector<4xf32>
    %broadcast_in_dim3A_288 = vector.shape_cast %reduce_max3A_287 : vector<4xf32> to vector<4x1xf32>
    %eq3A_289 = vector.broadcast %broadcast_in_dim3A_288 : vector<4x1xf32> to vector<4x16xf32>
    %eq3A_290 = arith.cmpf oeq, %select_n3A_285, %eq3A_289 : vector<4x16xf32>
    %jit3A_291 = arith.constant 16 : i32
    %broadcast_in_dim3A_292 = vector.broadcast %jit3A_291 : i32 to vector<4x16xi32>
    %select_n3A_293 = arith.select %eq3A_290, %iota3A_190, %broadcast_in_dim3A_292 : vector<4x16xi1>, vector<4x16xi32>
    %reduce_min3A_294 = arith.constant dense<2147483647> : vector<4xi32>
    %reduce_min3A_295 = vector.multi_reduction <minsi>, %select_n3A_293, %reduce_min3A_294 [1] : vector<4x16xi32> to vector<4xi32>
    %broadcast_in_dim3A_296 = vector.shape_cast %reduce_min3A_295 : vector<4xi32> to vector<4x1xi32>
    %eq3A_297 = vector.broadcast %broadcast_in_dim3A_296 : vector<4x1xi32> to vector<4x16xi32>
    %eq3A_298 = arith.cmpi eq, %iota3A_190, %eq3A_297 : vector<4x16xi32>
    %jit3A_299 = arith.constant 1.000000e+00 : f32
    %broadcast_in_dim3A_300 = vector.broadcast %jit3A_299 : f32 to vector<4x16xf32>
    %select_n3A_301 = arith.select %eq3A_298, %broadcast_in_dim3A_300, %select_n3A_282 : vector<4x16xi1>, vector<4x16xf32>
    %jit3A_302 = arith.constant 0xFF800000 : f32
    %broadcast_in_dim3A_303 = vector.broadcast %jit3A_302 : f32 to vector<4x16xf32>
    %select_n3A_304 = arith.select %eq3A_298, %broadcast_in_dim3A_303, %select_n3A_285 : vector<4x16xi1>, vector<4x16xf32>
    %reduce_max3A_305 = arith.constant dense<0xFF800000> : vector<4xf32>
    %reduce_max3A_306 = vector.multi_reduction <maximumf>, %select_n3A_304, %reduce_max3A_305 [1] : vector<4x16xf32> to vector<4xf32>
    %broadcast_in_dim3A_307 = vector.shape_cast %reduce_max3A_306 : vector<4xf32> to vector<4x1xf32>
    %eq3A_308 = vector.broadcast %broadcast_in_dim3A_307 : vector<4x1xf32> to vector<4x16xf32>
    %eq3A_309 = arith.cmpf oeq, %select_n3A_304, %eq3A_308 : vector<4x16xf32>
    %jit3A_310 = arith.constant 16 : i32
    %broadcast_in_dim3A_311 = vector.broadcast %jit3A_310 : i32 to vector<4x16xi32>
    %select_n3A_312 = arith.select %eq3A_309, %iota3A_190, %broadcast_in_dim3A_311 : vector<4x16xi1>, vector<4x16xi32>
    %reduce_min3A_313 = arith.constant dense<2147483647> : vector<4xi32>
    %reduce_min3A_314 = vector.multi_reduction <minsi>, %select_n3A_312, %reduce_min3A_313 [1] : vector<4x16xi32> to vector<4xi32>
    %broadcast_in_dim3A_315 = vector.shape_cast %reduce_min3A_314 : vector<4xi32> to vector<4x1xi32>
    %eq3A_316 = vector.broadcast %broadcast_in_dim3A_315 : vector<4x1xi32> to vector<4x16xi32>
    %eq3A_317 = arith.cmpi eq, %iota3A_190, %eq3A_316 : vector<4x16xi32>
    %jit3A_318 = arith.constant 1.000000e+00 : f32
    %broadcast_in_dim3A_319 = vector.broadcast %jit3A_318 : f32 to vector<4x16xf32>
    %select_n3A_320 = arith.select %eq3A_317, %broadcast_in_dim3A_319, %select_n3A_301 : vector<4x16xi1>, vector<4x16xf32>
    %jit3A_321 = arith.constant 0xFF800000 : f32
    %broadcast_in_dim3A_322 = vector.broadcast %jit3A_321 : f32 to vector<4x16xf32>
    %select_n3A_323 = arith.select %eq3A_317, %broadcast_in_dim3A_322, %select_n3A_304 : vector<4x16xi1>, vector<4x16xf32>
    %reduce_max3A_324 = arith.constant dense<0xFF800000> : vector<4xf32>
    %reduce_max3A_325 = vector.multi_reduction <maximumf>, %select_n3A_323, %reduce_max3A_324 [1] : vector<4x16xf32> to vector<4xf32>
    %broadcast_in_dim3A_326 = vector.shape_cast %reduce_max3A_325 : vector<4xf32> to vector<4x1xf32>
    %eq3A_327 = vector.broadcast %broadcast_in_dim3A_326 : vector<4x1xf32> to vector<4x16xf32>
    %eq3A_328 = arith.cmpf oeq, %select_n3A_323, %eq3A_327 : vector<4x16xf32>
    %jit3A_329 = arith.constant 16 : i32
    %broadcast_in_dim3A_330 = vector.broadcast %jit3A_329 : i32 to vector<4x16xi32>
    %select_n3A_331 = arith.select %eq3A_328, %iota3A_190, %broadcast_in_dim3A_330 : vector<4x16xi1>, vector<4x16xi32>
    %reduce_min3A_332 = arith.constant dense<2147483647> : vector<4xi32>
    %reduce_min3A_333 = vector.multi_reduction <minsi>, %select_n3A_331, %reduce_min3A_332 [1] : vector<4x16xi32> to vector<4xi32>
    %broadcast_in_dim3A_334 = vector.shape_cast %reduce_min3A_333 : vector<4xi32> to vector<4x1xi32>
    %eq3A_335 = vector.broadcast %broadcast_in_dim3A_334 : vector<4x1xi32> to vector<4x16xi32>
    %eq3A_336 = arith.cmpi eq, %iota3A_190, %eq3A_335 : vector<4x16xi32>
    %jit3A_337 = arith.constant 1.000000e+00 : f32
    %broadcast_in_dim3A_338 = vector.broadcast %jit3A_337 : f32 to vector<4x16xf32>
    %select_n3A_339 = arith.select %eq3A_336, %broadcast_in_dim3A_338, %select_n3A_320 : vector<4x16xi1>, vector<4x16xf32>
    %concatenate3A_340 = tpu.concatenate %select_n3A_339, %select_n3A_339, %select_n3A_339, %select_n3A_339 in 1 : vector<4x16xf32>, vector<4x16xf32>, vector<4x16xf32>, vector<4x16xf32> -> vector<4x64xf32>
    %mul3A_341 = arith.mulf %concatenate3A_340, %convert_element_type3A_144 : vector<4x64xf32>
    %dot_general3A_342 = arith.constant dense<0.000000e+00> : vector<4x3xf32>
    %dot_general3A_343 = tpu.matmul %mul3A_341, %dot_general3A_60, %dot_general3A_342 {dimension_numbers = #tpu.dot_dimension_numbers<[1], [0], [0], [1], [0, 0, 1, 1], [], []>, transpose_lhs_hint = false} : vector<4x64xf32>, vector<64x3xf32>, vector<4x3xf32> -> vector<4x3xf32>
    %mul3A_344 = arith.constant 1.250000e-01 : f32
    %mul3A_345 = vector.broadcast %mul3A_344 : f32 to vector<4x3xf32>
    %mul3A_346 = arith.mulf %dot_general3A_343, %mul3A_345 : vector<4x3xf32>
    %get3A_347 = arith.constant 0 : index
    %get3A_348 = arith.constant 0 : index
    %get3A_349 = vector.load %arg5[%get3A_347, %get3A_348] : memref<3x128xf32, #tpu.memory_space<vmem>>, vector<3x128xf32>
    %dot_general3A_350 = arith.constant dense<0.000000e+00> : vector<4x128xf32>
    %dot_general3A_351 = tpu.matmul %mul3A_346, %get3A_349, %dot_general3A_350 {dimension_numbers = #tpu.dot_dimension_numbers<[1], [0], [0], [1], [0, 0, 1, 1], [], []>, transpose_lhs_hint = false} : vector<4x3xf32>, vector<3x128xf32>, vector<4x128xf32> -> vector<4x128xf32>
    %get3A_352 = arith.constant 0 : index
    %get3A_353 = arith.constant 0 : index
    %get3A_354 = vector.load %arg6[%get3A_352, %get3A_353] : memref<1x128xf32, #tpu.memory_space<vmem>>, vector<1x128xf32>
    %add3A_355 = vector.broadcast %get3A_354 : vector<1x128xf32> to vector<4x128xf32>
    %add3A_356 = arith.addf %dot_general3A_351, %add3A_355 : vector<4x128xf32>
    %max3A_357 = arith.constant 0.000000e+00 : f32
    %max3A_358 = vector.broadcast %max3A_357 : f32 to vector<4x128xf32>
    %max3A_359 = arith.maximumf %add3A_356, %max3A_358 : vector<4x128xf32>
    %get3A_360 = arith.constant 0 : index
    %get3A_361 = arith.constant 0 : index
    %get3A_362 = vector.load %arg4[%get3A_360, %get3A_361] : memref<128x128xf32, #tpu.memory_space<vmem>>, vector<128x128xf32>
    %dot_general3A_363 = arith.constant dense<0.000000e+00> : vector<4x128xf32>
    %dot_general3A_364 = tpu.matmul %max3A_359, %get3A_362, %dot_general3A_363 {dimension_numbers = #tpu.dot_dimension_numbers<[1], [0], [0], [1], [0, 0, 1, 1], [], []>, transpose_lhs_hint = false} : vector<4x128xf32>, vector<128x128xf32>, vector<4x128xf32> -> vector<4x128xf32>
    %dot_general3A_365 = arith.constant dense<0.000000e+00> : vector<64x128xf32>
    %dot_general3A_366 = tpu.matmul %convert_element_type3A_108, %dot_general3A_364, %dot_general3A_365 {dimension_numbers = #tpu.dot_dimension_numbers<[1], [0], [0], [1], [0, 0, 1, 1], [], []>, transpose_lhs_hint = false} : vector<64x4xf32>, vector<4x128xf32>, vector<64x128xf32> -> vector<64x128xf32>
    %mul3A_367 = arith.mulf %max3A_72, %dot_general3A_366 : vector<64x128xf32>
    %reduce_sum3A_368 = arith.constant dense<0.000000e+00> : vector<64xf32>
    %reduce_sum3A_369 = vector.multi_reduction <add>, %mul3A_367, %reduce_sum3A_368 [1] : vector<64x128xf32> to vector<64xf32>
    %broadcast_in_dim3A_370 = vector.shape_cast %reduce_sum3A_369 : vector<64xf32> to vector<64x1xf32>
    %mul3A_371 = vector.broadcast %broadcast_in_dim3A_370 : vector<64x1xf32> to vector<64x16xf32>
    %mul3A_372 = arith.mulf %mul3A_371, %convert_element_type3A_171 : vector<64x16xf32>
    %dot_general3A_373 = arith.constant dense<0.000000e+00> : vector<4x16xf32>
    %dot_general3A_374 = tpu.matmul %convert_element_type3A_144, %mul3A_372, %dot_general3A_373 {dimension_numbers = #tpu.dot_dimension_numbers<[1], [0], [0], [1], [0, 0, 1, 1], [], []>, transpose_lhs_hint = false} : vector<4x64xf32>, vector<64x16xf32>, vector<4x16xf32> -> vector<4x16xf32>
    %iota3A_375 = tpu.iota {dimensions = array<i32: 1>} : vector<4x16xi32>
    %broadcast_in_dim3A_376 = arith.constant 0.000000e+00 : f32
    %broadcast_in_dim3A_377 = vector.broadcast %broadcast_in_dim3A_376 : f32 to vector<4x16xf32>
    %reduce_max3A_378 = arith.constant dense<0xFF800000> : vector<4xf32>
    %reduce_max3A_379 = vector.multi_reduction <maximumf>, %dot_general3A_374, %reduce_max3A_378 [1] : vector<4x16xf32> to vector<4xf32>
    %broadcast_in_dim3A_380 = vector.shape_cast %reduce_max3A_379 : vector<4xf32> to vector<4x1xf32>
    %eq3A_381 = vector.broadcast %broadcast_in_dim3A_380 : vector<4x1xf32> to vector<4x16xf32>
    %eq3A_382 = arith.cmpf oeq, %dot_general3A_374, %eq3A_381 : vector<4x16xf32>
    %jit3A_383 = arith.constant 16 : i32
    %broadcast_in_dim3A_384 = vector.broadcast %jit3A_383 : i32 to vector<4x16xi32>
    %select_n3A_385 = arith.select %eq3A_382, %iota3A_375, %broadcast_in_dim3A_384 : vector<4x16xi1>, vector<4x16xi32>
    %reduce_min3A_386 = arith.constant dense<2147483647> : vector<4xi32>
    %reduce_min3A_387 = vector.multi_reduction <minsi>, %select_n3A_385, %reduce_min3A_386 [1] : vector<4x16xi32> to vector<4xi32>
    %broadcast_in_dim3A_388 = vector.shape_cast %reduce_min3A_387 : vector<4xi32> to vector<4x1xi32>
    %eq3A_389 = vector.broadcast %broadcast_in_dim3A_388 : vector<4x1xi32> to vector<4x16xi32>
    %eq3A_390 = arith.cmpi eq, %iota3A_375, %eq3A_389 : vector<4x16xi32>
    %jit3A_391 = arith.constant 1.000000e+00 : f32
    %broadcast_in_dim3A_392 = vector.broadcast %jit3A_391 : f32 to vector<4x16xf32>
    %select_n3A_393 = arith.select %eq3A_390, %broadcast_in_dim3A_392, %broadcast_in_dim3A_377 : vector<4x16xi1>, vector<4x16xf32>
    %jit3A_394 = arith.constant 0xFF800000 : f32
    %broadcast_in_dim3A_395 = vector.broadcast %jit3A_394 : f32 to vector<4x16xf32>
    %select_n3A_396 = arith.select %eq3A_390, %broadcast_in_dim3A_395, %dot_general3A_374 : vector<4x16xi1>, vector<4x16xf32>
    %reduce_max3A_397 = arith.constant dense<0xFF800000> : vector<4xf32>
    %reduce_max3A_398 = vector.multi_reduction <maximumf>, %select_n3A_396, %reduce_max3A_397 [1] : vector<4x16xf32> to vector<4xf32>
    %broadcast_in_dim3A_399 = vector.shape_cast %reduce_max3A_398 : vector<4xf32> to vector<4x1xf32>
    %eq3A_400 = vector.broadcast %broadcast_in_dim3A_399 : vector<4x1xf32> to vector<4x16xf32>
    %eq3A_401 = arith.cmpf oeq, %select_n3A_396, %eq3A_400 : vector<4x16xf32>
    %jit3A_402 = arith.constant 16 : i32
    %broadcast_in_dim3A_403 = vector.broadcast %jit3A_402 : i32 to vector<4x16xi32>
    %select_n3A_404 = arith.select %eq3A_401, %iota3A_375, %broadcast_in_dim3A_403 : vector<4x16xi1>, vector<4x16xi32>
    %reduce_min3A_405 = arith.constant dense<2147483647> : vector<4xi32>
    %reduce_min3A_406 = vector.multi_reduction <minsi>, %select_n3A_404, %reduce_min3A_405 [1] : vector<4x16xi32> to vector<4xi32>
    %broadcast_in_dim3A_407 = vector.shape_cast %reduce_min3A_406 : vector<4xi32> to vector<4x1xi32>
    %eq3A_408 = vector.broadcast %broadcast_in_dim3A_407 : vector<4x1xi32> to vector<4x16xi32>
    %eq3A_409 = arith.cmpi eq, %iota3A_375, %eq3A_408 : vector<4x16xi32>
    %jit3A_410 = arith.constant 1.000000e+00 : f32
    %broadcast_in_dim3A_411 = vector.broadcast %jit3A_410 : f32 to vector<4x16xf32>
    %select_n3A_412 = arith.select %eq3A_409, %broadcast_in_dim3A_411, %select_n3A_393 : vector<4x16xi1>, vector<4x16xf32>
    %jit3A_413 = arith.constant 0xFF800000 : f32
    %broadcast_in_dim3A_414 = vector.broadcast %jit3A_413 : f32 to vector<4x16xf32>
    %select_n3A_415 = arith.select %eq3A_409, %broadcast_in_dim3A_414, %select_n3A_396 : vector<4x16xi1>, vector<4x16xf32>
    %reduce_max3A_416 = arith.constant dense<0xFF800000> : vector<4xf32>
    %reduce_max3A_417 = vector.multi_reduction <maximumf>, %select_n3A_415, %reduce_max3A_416 [1] : vector<4x16xf32> to vector<4xf32>
    %broadcast_in_dim3A_418 = vector.shape_cast %reduce_max3A_417 : vector<4xf32> to vector<4x1xf32>
    %eq3A_419 = vector.broadcast %broadcast_in_dim3A_418 : vector<4x1xf32> to vector<4x16xf32>
    %eq3A_420 = arith.cmpf oeq, %select_n3A_415, %eq3A_419 : vector<4x16xf32>
    %jit3A_421 = arith.constant 16 : i32
    %broadcast_in_dim3A_422 = vector.broadcast %jit3A_421 : i32 to vector<4x16xi32>
    %select_n3A_423 = arith.select %eq3A_420, %iota3A_375, %broadcast_in_dim3A_422 : vector<4x16xi1>, vector<4x16xi32>
    %reduce_min3A_424 = arith.constant dense<2147483647> : vector<4xi32>
    %reduce_min3A_425 = vector.multi_reduction <minsi>, %select_n3A_423, %reduce_min3A_424 [1] : vector<4x16xi32> to vector<4xi32>
    %broadcast_in_dim3A_426 = vector.shape_cast %reduce_min3A_425 : vector<4xi32> to vector<4x1xi32>
    %eq3A_427 = vector.broadcast %broadcast_in_dim3A_426 : vector<4x1xi32> to vector<4x16xi32>
    %eq3A_428 = arith.cmpi eq, %iota3A_375, %eq3A_427 : vector<4x16xi32>
    %jit3A_429 = arith.constant 1.000000e+00 : f32
    %broadcast_in_dim3A_430 = vector.broadcast %jit3A_429 : f32 to vector<4x16xf32>
    %select_n3A_431 = arith.select %eq3A_428, %broadcast_in_dim3A_430, %select_n3A_412 : vector<4x16xi1>, vector<4x16xf32>
    %concatenate3A_432 = tpu.concatenate %select_n3A_431, %select_n3A_431, %select_n3A_431, %select_n3A_431 in 1 : vector<4x16xf32>, vector<4x16xf32>, vector<4x16xf32>, vector<4x16xf32> -> vector<4x64xf32>
    %mul3A_433 = arith.mulf %concatenate3A_432, %convert_element_type3A_144 : vector<4x64xf32>
    %dot_general3A_434 = arith.constant dense<0.000000e+00> : vector<4x3xf32>
    %dot_general3A_435 = tpu.matmul %mul3A_433, %dot_general3A_60, %dot_general3A_434 {dimension_numbers = #tpu.dot_dimension_numbers<[1], [0], [0], [1], [0, 0, 1, 1], [], []>, transpose_lhs_hint = false} : vector<4x64xf32>, vector<64x3xf32>, vector<4x3xf32> -> vector<4x3xf32>
    %mul3A_436 = arith.constant 0.333333343 : f32
    %mul3A_437 = vector.broadcast %mul3A_436 : f32 to vector<4x3xf32>
    %mul3A_438 = arith.mulf %dot_general3A_435, %mul3A_437 : vector<4x3xf32>
    %get3A_439 = arith.constant 0 : index
    %get3A_440 = arith.constant 0 : index
    %get3A_441 = vector.load %arg5[%get3A_439, %get3A_440] : memref<3x128xf32, #tpu.memory_space<vmem>>, vector<3x128xf32>
    %dot_general3A_442 = arith.constant dense<0.000000e+00> : vector<4x128xf32>
    %dot_general3A_443 = tpu.matmul %mul3A_438, %get3A_441, %dot_general3A_442 {dimension_numbers = #tpu.dot_dimension_numbers<[1], [0], [0], [1], [0, 0, 1, 1], [], []>, transpose_lhs_hint = false} : vector<4x3xf32>, vector<3x128xf32>, vector<4x128xf32> -> vector<4x128xf32>
    %get3A_444 = arith.constant 0 : index
    %get3A_445 = arith.constant 0 : index
    %get3A_446 = vector.load %arg6[%get3A_444, %get3A_445] : memref<1x128xf32, #tpu.memory_space<vmem>>, vector<1x128xf32>
    %add3A_447 = vector.broadcast %get3A_446 : vector<1x128xf32> to vector<4x128xf32>
    %add3A_448 = arith.addf %dot_general3A_443, %add3A_447 : vector<4x128xf32>
    %max3A_449 = arith.constant 0.000000e+00 : f32
    %max3A_450 = vector.broadcast %max3A_449 : f32 to vector<4x128xf32>
    %max3A_451 = arith.maximumf %add3A_448, %max3A_450 : vector<4x128xf32>
    %get3A_452 = arith.constant 0 : index
    %get3A_453 = arith.constant 0 : index
    %get3A_454 = vector.load %arg7[%get3A_452, %get3A_453] : memref<128x256xf32, #tpu.memory_space<vmem>>, vector<128x256xf32>
    %dot_general3A_455 = arith.constant dense<0.000000e+00> : vector<4x256xf32>
    %dot_general3A_456 = tpu.matmul %max3A_451, %get3A_454, %dot_general3A_455 {dimension_numbers = #tpu.dot_dimension_numbers<[1], [0], [0], [1], [0, 0, 1, 1], [], []>, transpose_lhs_hint = false} : vector<4x128xf32>, vector<128x256xf32>, vector<4x256xf32> -> vector<4x256xf32>
    %get3A_457 = arith.constant 0 : index
    %get3A_458 = arith.constant 0 : index
    %get3A_459 = vector.load %arg8[%get3A_457, %get3A_458] : memref<1x256xf32, #tpu.memory_space<vmem>>, vector<1x256xf32>
    %add3A_460 = vector.broadcast %get3A_459 : vector<1x256xf32> to vector<4x256xf32>
    %add3A_461 = arith.addf %dot_general3A_456, %add3A_460 : vector<4x256xf32>
    %max3A_462 = arith.constant 0.000000e+00 : f32
    %max3A_463 = vector.broadcast %max3A_462 : f32 to vector<4x256xf32>
    %max3A_464 = arith.maximumf %add3A_461, %max3A_463 : vector<4x256xf32>
    %get3A_465 = arith.constant 0 : index
    %get3A_466 = arith.constant 0 : index
    %get3A_467 = vector.load %arg9[%get3A_465, %get3A_466] : memref<256x2xf32, #tpu.memory_space<vmem>>, vector<256x2xf32>
    %dot_general3A_468 = arith.constant dense<0.000000e+00> : vector<4x2xf32>
    %dot_general3A_469 = tpu.matmul %max3A_464, %get3A_467, %dot_general3A_468 {dimension_numbers = #tpu.dot_dimension_numbers<[1], [0], [0], [1], [0, 0, 1, 1], [], []>, transpose_lhs_hint = false} : vector<4x256xf32>, vector<256x2xf32>, vector<4x2xf32> -> vector<4x2xf32>
    %get3A_470 = arith.constant 0 : index
    %get3A_471 = arith.constant 0 : index
    %get3A_472 = vector.load %arg10[%get3A_470, %get3A_471] : memref<1x2xf32, #tpu.memory_space<vmem>>, vector<1x2xf32>
    %add3A_473 = vector.broadcast %get3A_472 : vector<1x2xf32> to vector<4x2xf32>
    %add3A_474 = arith.addf %dot_general3A_469, %add3A_473 : vector<4x2xf32>
    %swap3A = arith.constant 0 : index
    %swap3A_475 = arith.constant 0 : index
    %swap3A_476 = vector.load %arg12[%swap3A, %swap3A_475] : memref<4x2xf32, #tpu.memory_space<vmem>>, vector<4x2xf32>
    tpu.vector_store %arg12[%swap3A, %swap3A_475], %add3A_474 {strides = array<i32>} : memref<4x2xf32, #tpu.memory_space<vmem>>, vector<4x2xf32>,
    %swap3A_477 = arith.constant 0 : index
    %swap3A_478 = arith.constant 0 : index
    %swap3A_479 = vector.load %arg13[%swap3A_477, %swap3A_478] : memref<4x16xf32, #tpu.memory_space<vmem>>, vector<4x16xf32>
    tpu.vector_store %arg13[%swap3A_477, %swap3A_478], %dot_general3A_189 {strides = array<i32>} : memref<4x16xf32, #tpu.memory_space<vmem>>, vector<4x16xf32>,
    %swap3A_480 = arith.constant 0 : index
    %swap3A_481 = arith.constant 0 : index
    %swap3A_482 = vector.load %arg14[%swap3A_480, %swap3A_481] : memref<4x16xf32, #tpu.memory_space<vmem>>, vector<4x16xf32>
    tpu.vector_store %arg14[%swap3A_480, %swap3A_481], %dot_general3A_374 {strides = array<i32>} : memref<4x16xf32, #tpu.memory_space<vmem>>, vector<4x16xf32>,
    %concatenate3A_483 = tpu.concatenate %broadcast_in_dim3A_388, %broadcast_in_dim3A_407, %broadcast_in_dim3A_426 in 1 : vector<4x1xi32>, vector<4x1xi32>, vector<4x1xi32> -> vector<4x3xi32>
    %swap3A_484 = arith.constant 0 : index
    %swap3A_485 = arith.constant 0 : index
    %swap3A_486 = vector.load %arg15[%swap3A_484, %swap3A_485] : memref<4x3xi32, #tpu.memory_space<vmem>>, vector<4x3xi32>
    tpu.vector_store %arg15[%swap3A_484, %swap3A_485], %concatenate3A_483 {strides = array<i32>} : memref<4x3xi32, #tpu.memory_space<vmem>>, vector<4x3xi32>,
    return
  }
}

module attributes {stable_mosaic.version = 14 : i64} {
  func.func @_reduce_body(%arg0: i32, %arg1: memref<40x224x224xf32, #tpu.memory_space<vmem>>, %arg2: memref<160x1xf32, #tpu.memory_space<vmem>>) attributes {dimension_semantics = [#tpu.dimension_semantics<arbitrary>], iteration_bounds = array<i64: 4>, scalar_prefetch = 0 : i64, scratch_operands = 0 : i64, tpu.core_type = #tpu.core_type<tc>, window_params = [{transform_indices = @transform_0, window_bounds = array<i64: 40, 224, 224>}, {pipeline_mode = #tpu.pipeline_mode<synchronous>, transform_indices = @transform_1, window_bounds = array<i64: 160, 1>}]} {
    %get3A = arith.constant 0 : index
    %get3A_0 = arith.constant 0 : index
    %get3A_1 = arith.constant 0 : index
    %get3A_2 = vector.load %arg1[%get3A, %get3A_0, %get3A_1] : memref<40x224x224xf32, #tpu.memory_space<vmem>>, vector<40x224x224xf32>
    %reduce_sum3A = arith.constant dense<0.000000e+00> : vector<40x224xf32>
    %reduce_sum3A_3 = vector.multi_reduction <add>, %get3A_2, %reduce_sum3A [2] : vector<40x224x224xf32> to vector<40x224xf32>
    %reduce_sum3A_4 = arith.constant dense<0.000000e+00> : vector<40xf32>
    %reduce_sum3A_5 = vector.multi_reduction <add>, %reduce_sum3A_3, %reduce_sum3A_4 [1] : vector<40x224xf32> to vector<40xf32>
    %broadcast_in_dim3A = vector.shape_cast %reduce_sum3A_5 : vector<40xf32> to vector<40x1xf32>
    %mul3A = arith.constant 40 : i32
    %mul3A_6 = arith.muli %arg0, %mul3A : i32
    %swap3A = arith.index_cast %mul3A_6 : i32 to index
    %swap3A_7 = arith.constant 0 : index
    %swap3A_8 = vector.load %arg2[%swap3A, %swap3A_7] : memref<160x1xf32, #tpu.memory_space<vmem>>, vector<40x1xf32>
    tpu.vector_store %arg2[%swap3A, %swap3A_7], %broadcast_in_dim3A {strides = array<i32>} : memref<160x1xf32, #tpu.memory_space<vmem>>, vector<40x1xf32>,
    return
  }
  func.func @transform_0(%arg0: i32) -> (i32, i32, i32) {
    %c0_i32 = arith.constant 0 : i32
    %c0_i32_0 = arith.constant 0 : i32
    %c0_i32_1 = arith.constant 0 : i32
    return %arg0, %c0_i32, %c0_i32_0 : i32, i32, i32
  }
  func.func @transform_1(%arg0: i32) -> (i32, i32) {
    %c0_i32 = arith.constant 0 : i32
    %c0_i32_0 = arith.constant 0 : i32
    %c0_i32_1 = arith.constant 0 : i32
    return %c0_i32, %c0_i32_0 : i32, i32
  }
}

</mosaic_0001>

<sc_bundles>
// kernel: kernel.5.cloned.1.call-start
scs
__scs_entry_jumppad:
0x0: {  	(pc) =	sbr.rel $0x88, $3  }
0x1: {  	(tag) =	ssettag $0x0;
	lr =	simm.s32 $0x1  }
0x2: {  	[smem:$0x3F97] =	sst lr;
	_ =	strace $0xD0000000  }
0x3: {  	_ = 	snop  }
0x4: {  	_ = 	snop  }
0x5: {  	_ = 	snop  }
0x6: {  	_ = 	snop  }
0x7: {  	_ = 	snop  }
__scs_overlays_trampoline_lowered:
0x8: {  	[smem:$0x3FA6] =	sst s0  }
0x9: {  	[smem:$0x3FA7] =	sst s1  }
0xa: {  	[smem:$0x3FA8] =	sst s2  }
0xb: {  	[smem:$0x3FA9] =	sst s3  }
0xc: {  	[smem:$0x3FAA] =	sst s4  }
0xd: {  	[smem:$0x3FAB] =	sst s5  }
0xe: {  	[smem:$0x3FAC] =	sst s6  }
0xf: {  	[smem:$0x3FAD] =	sst s7  }
0x10: {  	[smem:$0x3FAE] =	sst s8  }
0x11: {  	[smem:$0x3FAF] =	sst s9;
	s0 =	simm.s32 @!p0 $0x0  }
0x12: {  	s1 =	sld [smem:$0x3F95];
	s0 =	simm.s32 @p0 $0x1  }
0x13: {  	[smem:$0x3FB0] =	sst s0;
	s0 =	simm.s32 @!p1 $0x0  }
0x14: {  	s2 =	sld [smem:$0x3F94];
	s0 =	simm.s32 @p1 $0x1  }
0x15: {  	[smem:$0x3FB1] =	sst s0;
	s0 =	simm.s32 @!p2 $0x0  }
0x16: {  	s3 =	sld [smem:$0x3FDB];
	s0 =	simm.s32 @p2 $0x1  }
0x17: {  	s4 =	simm.s32 $0x1BF5;
	[smem:$0x3FB3] =	sst s0  }
0x18: {  	s0 =	sld [smem:$0x3F96];
	_ =	swait.ge [sflag:s4], $0x0  }
0x19: {  	s7 =	sld [smem:$0x3F97]  }
0x1a: {  	s8 =	sadd.s32 $0xFFFFE003, lr  }
0x1b: {  	s9 =	sadd.s32 $0xFFFFFEF7, lr;
	s5 =	simm.s32 $0xFFFFFFFF;
	p2 =	slt.u32 s8, $0xFFFFF086  }
0x1c: {  	p1 =	slt.u32 s9, $0xF7A;
	s5 =	simm.s32 @!p2 $0x0  }
0x1d: {  	s5 =	simm.s32 @p1 $0x1;
	p0 =	seq.s32 s7, s2  }
0x1e: {  	s7 =	smul.u32 @!p0 $0xF7A, s2;
	p2 =	seq.s32 @!p0 s5, $0x0  }
0x1f: {  	s9 =	smul.u32 $0xF7A, s1;
	s8 =	simm.s32 @!p0 $0x1BF5;
	p2 =	por !p2, p0  }
0x20: {  	[sflag:s8] =	ssyncset.s32 @!p0 $0xFFFFF086;
	s6 =	sadd.s32 @!p0 s3, s7;
	s7 =	simm.s32 @!p0 $0x108  }
0x21: {  	s3 =	sadd.s32 s3, s9;
	s6 =	sadd.s32 @!p0 $0x88, s6;
	s7 =	simm.s32 @p2 $0x1082  }
0x22: {  	[simem:s7], [sflag:s8] =	dma.local @!p0 [hbm:s6], $0xF7A  }
0x23: {  	s9 =	sor.u32 $0xD0000000, s2;
	s6 =	simm.s32 $0x108;
	_ =	swait.ge @!p0 [sflag:s8], $0x0  }
0x24: {  	s3 =	sadd.s32 $0x88, s3;
	s6 =	simm.s32 @!p1 $0x1082;
	[sflag:s4] =	ssyncset.s32 $0xFFFFF086  }
0x25: {  	[simem:s6], [sflag:s4] =	dma.local [hbm:s3], $0xF7A  }
0x26: {  	[smem:$0x3F97] =	sst s1;
	(tag) =	ssettag s2;
	_ =	strace s9  }
0x27: {  	s1 =	sld [smem:$0x3FA7]  }
0x28: {  	s2 =	sld [smem:$0x3FA8]  }
0x29: {  	s4 =	sld [smem:$0x3FAA]  }
0x2a: {  	p0 =	seq.s32 s5, $0x0;
	s5 =	sld [smem:$0x3FAB]  }
0x2b: {  	s6 =	sld [smem:$0x3FAC]  }
0x2c: {  	s7 =	sld [smem:$0x3FAD]  }
0x2d: {  	s3 =	simm.s32 $0x108;
	s8 =	sld [smem:$0x3FAE]  }
0x2e: {  	s3 =	simm.s32 @!p0 $0x1082;
	s9 =	sld [smem:$0x3FAF]  }
0x2f: {  	lr =	sadd.s32 s0, s3;
	s0 =	sld [smem:$0x3FA6]  }
0x30: {  	s3 =	sld [smem:$0x3FA9]  }
0x31: {  	[smem:$0x3FB2] =	sst s10  }
0x32: {  	s10 =	sld [smem:$0x3FB0];
	_ =	sdelay $0x3  }
0x33: {  	p0 =	seq.s32 s10, $0x1;
	s10 =	sld [smem:$0x3FB2];
	_ =	sdelay $0x3  }
0x34: {  	[smem:$0x3FB2] =	sst s10  }
0x35: {  	s10 =	sld [smem:$0x3FB1];
	_ =	sdelay $0x3  }
0x36: {  	p1 =	seq.s32 s10, $0x1;
	s10 =	sld [smem:$0x3FB2];
	_ =	sdelay $0x3  }
0x37: {  	[smem:$0x3FB2] =	sst s10  }
0x38: {  	s10 =	sld [smem:$0x3FB3]  }
0x39: {  	_ = 	snop;
	(pc) =	sbr.ind lr, $3  }
0x3a: {  	_ = 	snop  }
0x3b: {  	_ = 	snop  }
0x3c: {  	p2 =	seq.s32 s10, $0x1;
	s10 =	sld [smem:$0x3FB2]  }
0x3d: {  	_ =	shalt  }
0x3e: {  	_ =	shalt  }
0x3f: {  	_ =	shalt  }
0x40: {  	_ =	shalt  }
0x41: {  	_ =	shalt  }
0x42: {  	_ =	shalt  }
0x43: {  	_ =	shalt  }
0x44: {  	_ =	shalt  }
0x45: {  	_ =	shalt  }
0x46: {  	_ =	shalt  }
0x47: {  	_ =	shalt  }
0x48: {  	_ =	shalt  }
0x49: {  	_ =	shalt  }
0x4a: {  	_ =	shalt  }
0x4b: {  	_ =	shalt  }
0x4c: {  	_ =	shalt  }
0x4d: {  	_ =	shalt  }
0x4e: {  	_ =	shalt  }
0x4f: {  	_ =	shalt  }
0x50: {  	_ =	shalt  }
0x51: {  	_ =	shalt  }
0x52: {  	_ =	shalt  }
0x53: {  	_ =	shalt  }
0x54: {  	_ =	shalt  }
0x55: {  	_ =	shalt  }
0x56: {  	_ =	shalt  }
0x57: {  	_ =	shalt  }
0x58: {  	_ =	shalt  }
0x59: {  	_ =	shalt  }
0x5a: {  	_ =	shalt  }
0x5b: {  	_ =	shalt  }
0x5c: {  	_ =	shalt  }
0x5d: {  	_ =	shalt  }
0x5e: {  	_ =	shalt  }
0x5f: {  	_ =	shalt  }
0x60: {  	_ =	shalt  }
0x61: {  	_ =	shalt  }
0x62: {  	_ =	shalt  }
0x63: {  	_ =	shalt  }
0x64: {  	_ =	shalt  }
0x65: {  	_ =	shalt  }
0x66: {  	_ =	shalt  }
0x67: {  	_ =	shalt  }
0x68: {  	_ =	shalt  }
0x69: {  	_ =	shalt  }
0x6a: {  	_ =	shalt  }
0x6b: {  	_ =	shalt  }
0x6c: {  	_ =	shalt  }
0x6d: {  	_ =	shalt  }
0x6e: {  	_ =	shalt  }
0x6f: {  	_ =	shalt  }
0x70: {  	_ =	shalt  }
0x71: {  	_ =	shalt  }
0x72: {  	_ =	shalt  }
0x73: {  	_ =	shalt  }
0x74: {  	_ =	shalt  }
0x75: {  	_ =	shalt  }
0x76: {  	_ =	shalt  }
0x77: {  	_ =	shalt  }
0x78: {  	_ =	shalt  }
0x79: {  	_ =	shalt  }
0x7a: {  	_ =	shalt  }
0x7b: {  	_ =	shalt  }
0x7c: {  	_ =	shalt  }
0x7d: {  	_ =	shalt  }
0x7e: {  	_ =	shalt  }
0x7f: {  	_ =	shalt  }
0x80: {  	_ =	shalt  }
0x81: {  	_ =	shalt  }
0x82: {  	_ =	shalt  }
0x83: {  	_ =	shalt  }
0x84: {  	_ =	shalt  }
0x85: {  	_ =	shalt  }
0x86: {  	_ =	shalt  }
0x87: {  	_ =	shalt  }
.Lfunc_end0:
.L_simem_size_0:
called_computation_lowered:
.L_overlay_start_0:
0x88: {  	s2 =	sld [smem:$0x3FD9]  }
0x89: {  	s3 =	sld [smem:$0x3FFE];
	_ =	sdelay $0x1  }
0x8a: {  	s1 =	srdreg.scid  }
0x8b: {  	s0 =	sand.u32 $0x1, s1  }
0x8c: {  	s17 =	sshll.u32 s0, $0xA;
	s2 =	sadd.s32 s3, s2  }
0x8d: {  	s2 =	sadd.s32 s2, s17  }
0x8e: {  	[smem:$0x3FBE] =	sst s2  }
0x8f: {  	_ = 	snop  }
0x90: {  	s2 =	sld [smem:$0x3FC9];
	(tm) =	ssettm $0x1  }
0x91: {  	s18 =	sld [smem:$0x3FFB];
	_ =	sdelay $0x3  }
0x92: {  	_ =	strace s18  }
0x93: {  	s3 =	sld [smem:$0x3FFC];
	_ =	sdelay $0x3  }
0x94: {  	_ =	strace s3  }
0x95: {  	s3 =	sld [smem:$0x3FFD];
	_ =	sdelay $0x3  }
0x96: {  	_ =	strace s3  }
0x97: {  	_ =	strace $0x8FFFFFFF  }
0x98: {  	s19 =	sld [smem:$0x3FDB];
	_ =	sdelay $0x1  }
0x99: {  	s4 =	simm.s32 $_scs_section_size  }
0x9a: {  	s5 =	simm.s32 $_size__tile_overlayer_lowered;
	s6 =	simm.s32 $_tile_overlayer_lowered  }
0x9b: {  	s22 =	simm.s32 $0x1BFF;
	s21 =	sshll.u32 s6, $0x1;
	s3 =	sadd.s32 s4, s19  }
0x9c: {  	s7 =	simm.s32 $0x0;
	s20 =	sshll.u32 s5, $0x1;
	s5 =	sadd.s32 s21, s3  }
0x9d: {  	[timem:s7], [sflag:s22] =	dma.local [hbm:s5], s20  }
0x9e: {  	_ =	swait.ge [sflag:s22], s20  }
0x9f: {  	s4 =	ssub.s32 $0x0, s20;
	[sflag:s22] =	ssyncset.done $0x0  }
0xa0: {  	[sflag:s22] =	ssyncadd.s32 s4;
	_ =	sdelay $0x1  }
0xa1: {  	s23 =	simm.s32 $0x1B8B  }
0xa2: {  	_ =	swait.ge [sflag:s23], $0x1  }
0xa3: {  	[sflag:s23] =	ssyncset.done $0x0  }
0xa4: {  	s25 =	simm.s32 $0x1B8E;
	s24 =	sld [smem:$0x3FFE];
	[sflag:s23] =	ssyncadd.s32 $0xFFFFFFFF  }
0xa5: {  	s26 =	simm.s32 $execute0_lowered;
	[smem:$0x3FD2] =	sst s25  }
0xa6: {  	s5 =	sshll.u32 s26, $0x1;
	_ =	strace $0x80000046;
	[dreg:$0x1] =	wrdreg $0xFFFFFFFF  }
0xa7: {  	s28 =	simm.s32 $_size_execute0_lowered;
	s3 =	sadd.s32 s3, s5;
	[dreg:$0x0] =	wrdreg $0x0  }
0xa8: {  	s5 =	sshll.u32 s28, $0x1;
	[dreg:$0x2] =	wrdreg s3  }
0xa9: {  	[dreg:$0x3] =	wrdreg s5  }
0xaa: {  	[dreg:$0x4] =	wrdreg $0xC0  }
0xab: {  	_ =	task [dreg:s7], $0x5FFFF  }
0xac: {  	[dreg:$0x1] =	wrdreg $0xFFFFFFFF  }
0xad: {  	[dreg:$0x0] =	wrdreg $0x60  }
0xae: {  	[dreg:$0x2] =	wrdreg s2  }
0xaf: {  	[dreg:$0x3] =	wrdreg s24  }
0xb0: {  	[dreg:$0x4] =	wrdreg $0x9  }
0xb1: {  	_ =	task.clear_ibuf [dreg:s7], $0x5FFFF;
	_ =	strace $0x90000046  }
0xb2: {  	s29 =	simm.s32 $0x9;
	_ =	strace $0x80000048  }
0xb3: {  	_ =	swait.ge [sflag:s29], $0x1  }
0xb4: {  	[sflag:s29] =	ssyncadd.s32 $0xFFFFFFFF  }
0xb5: {  	_ =	strace $0x90000048  }
0xb6: {  	_ =	sfence  }
0xb7: {  	s30 =	sld [smem:$0x0];
	_ =	sdelay $0x2  }
0xb8: {  	s31 =	sshll.u32 s1, $0xD;
	s1 =	sshrl.u32 s1, $0x2  }
0xb9: {  	s3 =	sand.u32 $0x4000, s31;
	s1 =	sadd.s32 s1, s30  }
0xba: {  	s0 =	sor.u32 s3, s0;
	s1 =	sshll.u32 s1, $0x11  }
0xbb: {  	s0 =	sor.u32 s1, s0  }
0xbc: {  	s0 =	sadd.s32 $0x8F2B, s0  }
0xbd: {  	[sflag:s0] =	ssyncadd.remote.s32 $0x1  }
0xbe: {  	_ =	sfence.sel $0xFFFF  }
0xbf: {  	[dreg:$0x0] =	wrdreg $0xFFFFFFFF;
	(pc) =	sbr.abs _section_cstart, $3  }
0xc0: {  	[dreg:$0x1] =	wrdreg $0xFFFFFFFF  }
0xc1: {  	_ =	task.clear_ibuf [dreg:s7], $0x2FFFF;
	_ =	strace $0x9FFFFFFF  }
0xc2: {  	(tm) =	ssettm $0x7FFFFFFF  }
0xc3: {  	_ =	shalt  }
tec
execute0_lowered:
.L_overlay_start_1:
0x0: {  	(tag) =	ssettag $0x1  }
0x1: {  	s3 =	rddreg [dreg:$0x0]  }
0x2: {  	s4 =	rddreg [dreg:$0x1]  }
0x3: {  	s1 =	srdreg.scid;
	s0 =	rddreg [dreg:$0x2];
	s2 =	simm.s32 $0x0  }
0x4: {  	s5 =	sand.u32 $0x1, s1;
	s1 =	stileid.u32;
	[smem:$0x7FF] =	sst s2  }
0x5: {  	s6 =	sshll.u32 s5, $0x4;
	s7 =	sshll.u32 s1, $0x4;
	_ =	strace $0x80000047  }
0x6: {  	s5 =	ssub.s32 $0x2, s5;
	s6 =	sor.u32 s1, s6;
	s7 =	sand.u32 $0x70, s7  }
0x7: {  	s31 =	sshrl.u32 s5, $0x1;
	s8 =	smul.u32 $0xE000, s6;
	s4 =	sadd.s32 s7, s4  }
0x8: {  	s6 =	sshll.u32 s6, $0x4;
	s5 =	ssub.s32 s5, s31;
	s7 =	simm.s32 $0xE000  }
0x9: {  	s6 =	sand.u32 $0x180, s6;
	s5 =	smax.u32 s5, $0x1;
	s8 =	sshrl.u32 s8, $0x3  }
0xa: {  	s4 =	sadd.s32 s6, s4;
	s6 =	simm.s32 $0x1;
	s3 =	sadd.s32 s3, s8  }
0xb: {  	s4 =	sadd.s32 $0x1C00, s4;
	s8 =	simm.s32 $0x0;
	s3 =	sadd.s32 $0x118000, s3  }
.LBB2_1:
0xc: {  	[tilespmem:s2], [sflag:$0x1] =	stream.linear.gather [hbm4b:s3+s2], $0xE000, $0x38;
	[tilespmem:$0xE080] =	vst v63  }
0xd: {  	_ =	swait.ge [sflag:s6], $0xE000  }
0xe: {  	s9 =	sand.u32 $0xF800, s2;
	s10 =	sand.u32 $0x380, s2;
	[sflag:s6] =	ssyncset.done $0x0  }
0xf: {  	s13 =	sor.u32 s10, s9;
	[sflag:s6] =	ssyncadd.s32 $0xFFFF2000  }
0x10: {  	v0 =	vld [tilespmem:s13+$0x0];
	_ =	sdelay $0x1  }
0x11: {  	v1 =	vld [tilespmem:s13+$0x10];
	_ =	sdelay $0x1  }
0x12: {  	v2 =	vimm.f32 $0.0e+00;
	v3 =	vld [tilespmem:s13+$0x20]  }
0x13: {  	v0 =	vadd.f32 v0, v2  }
0x14: {  	v2 =	vld [tilespmem:s13+$0x30]  }
0x15: {  	v0 =	vadd.f32 v1, v0  }
0x16: {  	v1 =	vld [tilespmem:s13+$0x40]  }
0x17: {  	v0 =	vadd.f32 v3, v0  }
0x18: {  	v3 =	vld [tilespmem:s13+$0x50]  }
0x19: {  	v0 =	vadd.f32 v2, v0  }
0x1a: {  	v2 =	vld [tilespmem:s13+$0x60]  }
0x1b: {  	v0 =	vadd.f32 v1, v0  }
0x1c: {  	v1 =	vld [tilespmem:s13+$0x70]  }
0x1d: {  	v0 =	vadd.f32 v3, v0  }
0x1e: {  	v3 =	vld [tilespmem:s13+$0x400]  }
0x1f: {  	v0 =	vadd.f32 v2, v0  }
0x20: {  	v2 =	vld [tilespmem:s13+$0x410]  }
0x21: {  	v0 =	vadd.f32 v1, v0  }
0x22: {  	v4 =	vld [tilespmem:s13+$0x420]  }
0x23: {  	v1 =	vadd.f32 v3, v0  }
0x24: {  	v0 =	vld [tilespmem:s13+$0x430]  }
0x25: {  	v2 =	vadd.f32 v2, v1  }
0x26: {  	v1 =	vld [tilespmem:s13+$0x440]  }
0x27: {  	s31 =	simm.s32 $0x100;
	s9 =	simm.s32 $0x80;
	v3 =	vadd.f32 v4, v2  }
0x28: {  	s11 =	sand.u32 $0xF800, s31;
	s10 =	simm.s32 $0x200;
	s12 =	sand.u32 $0x380, s9;
	v2 =	vld [tilespmem:s13+$0x450]  }
.LBB2_2:
0x29: {  	p0 =	sne.s32 s10, $0xDF00;
	s13 =	sor.u32 s12, s11;
	v0 =	vadd.f32 v0, v3  }
0x2a: {  	v3 =	vld [tilespmem:s13+$0x0]  }
0x2b: {  	v0 =	vadd.f32 v1, v0  }
0x2c: {  	v1 =	vld [tilespmem:s13+$0x10]  }
0x2d: {  	v0 =	vadd.f32 v2, v0  }
0x2e: {  	v2 =	vld [tilespmem:s13+$0x20]  }
0x2f: {  	v0 =	vadd.f32 v3, v0  }
0x30: {  	v3 =	vld [tilespmem:s13+$0x30]  }
0x31: {  	v0 =	vadd.f32 v1, v0  }
0x32: {  	v1 =	vld [tilespmem:s13+$0x40]  }
0x33: {  	v0 =	vadd.f32 v2, v0  }
0x34: {  	v2 =	vld [tilespmem:s13+$0x50]  }
0x35: {  	v0 =	vadd.f32 v3, v0  }
0x36: {  	v3 =	vld [tilespmem:s13+$0x60]  }
0x37: {  	v0 =	vadd.f32 v1, v0  }
0x38: {  	v1 =	vld [tilespmem:s13+$0x70]  }
0x39: {  	v0 =	vadd.f32 v2, v0  }
0x3a: {  	v2 =	vld [tilespmem:s13+$0x400]  }
0x3b: {  	v0 =	vadd.f32 v3, v0  }
0x3c: {  	v3 =	vld [tilespmem:s13+$0x410]  }
0x3d: {  	v0 =	vadd.f32 v1, v0  }
0x3e: {  	v4 =	vld [tilespmem:s13+$0x420]  }
0x3f: {  	v1 =	vadd.f32 v2, v0  }
.Ltmp0:
0x40: {  	v0 =	vld [tilespmem:s13+$0x430];
	(pc) =	sbr.rel @p0 .LBB2_2-.Ltmp0, $4  }
0x41: {  	v2 =	vadd.f32 v3, v1  }
0x42: {  	v1 =	vld [tilespmem:s13+$0x440]  }
0x43: {  	s9 =	sadd.s32 $0x80, s9;
	v3 =	vadd.f32 v4, v2  }
0x44: {  	s11 =	sand.u32 $0xF800, s10;
	s10 =	sadd.s32 $0x100, s10;
	s12 =	sand.u32 $0x380, s9;
	v2 =	vld [tilespmem:s13+$0x450]  }
0x45: {  	s9 =	sor.u32 s12, s11;
	v0 =	vadd.f32 v0, v3  }
0x46: {  	v50 =	vld [tilespmem:s9+$0x0]  }
0x47: {  	v0 =	vadd.f32 v1, v0  }
0x48: {  	v51 =	vld [tilespmem:s9+$0x10]  }
0x49: {  	v0 =	vadd.f32 v2, v0  }
0x4a: {  	v52 =	vld [tilespmem:s9+$0x20]  }
0x4b: {  	v0 =	vadd.f32 v50, v0  }
0x4c: {  	v53 =	vld [tilespmem:s9+$0x30]  }
0x4d: {  	v0 =	vadd.f32 v51, v0  }
0x4e: {  	v54 =	vld [tilespmem:s9+$0x40]  }
0x4f: {  	v0 =	vadd.f32 v52, v0  }
0x50: {  	v55 =	vld [tilespmem:s9+$0x50]  }
0x51: {  	v0 =	vadd.f32 v53, v0  }
0x52: {  	v56 =	vld [tilespmem:s9+$0x60]  }
0x53: {  	v0 =	vadd.f32 v54, v0  }
0x54: {  	v57 =	vld [tilespmem:s9+$0x70]  }
0x55: {  	v0 =	vadd.f32 v55, v0  }
0x56: {  	v58 =	vld [tilespmem:s9+$0x400]  }
0x57: {  	v0 =	vadd.f32 v56, v0  }
0x58: {  	v59 =	vld [tilespmem:s9+$0x410]  }
0x59: {  	v0 =	vadd.f32 v57, v0  }
0x5a: {  	v60 =	vld [tilespmem:s9+$0x420]  }
0x5b: {  	v0 =	vadd.f32 v58, v0  }
0x5c: {  	v61 =	vld [tilespmem:s9+$0x430]  }
0x5d: {  	v0 =	vadd.f32 v59, v0  }
0x5e: {  	v62 =	vld [tilespmem:s9+$0x440]  }
0x5f: {  	v0 =	vadd.f32 v60, v0  }
0x60: {  	v63 =	vld [tilespmem:s9+$0x450]  }
0x61: {  	v0 =	vadd.f32 v61, v0;
	_ =	sdelay $0x1  }
0x62: {  	v0 =	vadd.f32 v62, v0;
	_ =	sdelay $0x1  }
0x63: {  	s8 =	sadd.s32 $0x1, s8;
	v0 =	vadd.f32 v63, v0  }
0x64: {  	p0 =	sne.s32 s8, s5  }
.Ltmp1:
0x65: {  	[tilespmem:$0xE000] =	vst v0;
	(pc) =	sbr.rel @p0 .LBB2_1-.Ltmp1, $4  }
0x66: {  	[hbm4b:s4+s2] =	stream.linear.scatter [tilespmem:s7], [sflag:$0x1], $0x80, $0x38;
	[tilespmem:$0xE080] =	vst v63  }
0x67: {  	_ =	swait.ge [sflag:s6], $0x80  }
0x68: {  	[sflag:s6] =	ssyncset.done $0x0  }
0x69: {  	[sflag:s6] =	ssyncadd.s32 $0xFFFFFF80  }
0x6a: {  	_ =	sfence.sel $0x180000  }
0x6b: {  	[bflag:$0x0] =	sbarrier.arrive $0xFFFF  }
0x6c: {  	p0 =	sne.s32 s1, $0x0;
	_ =	strace $0x90000047  }
0x6d: {  	s0 =	sadd.s32 @!p0 $0x100000, s0;
	[bflag:$0x2] =	sbarrier.arrive $0xFFFF  }
0x6e: {  	[sflag:s0] =	ssyncadd.tile.s32 @!p0 $0x1;
	_ =	shalt  }
.Lfunc_end2:
_tile_overlayer_lowered:
.L_overlay_start_2:
0x6f: {  	(tag) =	ssettag $0x2  }
0x70: {  	s0 =	rddreg [dreg:$0x0];
	s2 =	stileid.u32  }
0x71: {  	s1 =	rddreg [dreg:$0x1];
	p0 =	sne.s32 s2, $0x0  }
0x72: {  	s3 =	rddreg [dreg:$0x2];
	[bflag:$0x3] =	sbarrier.arrive $0xFFFF;
	s2 =	simm.s32 @!p0 $0x1C01  }
0x73: {  	[timem:s3], [sflag:s2] =	dma.local @!p0 [hbm:s0], s1  }
0x74: {  	s0 =	simm.s32 @!p0 $0x1  }
0x75: {  	_ =	swait.ge @!p0 [sflag:s0], s1  }
0x76: {  	s1 =	ssub.s32 @!p0 $0x0, s1;
	[sflag:s0] =	ssyncset.done @!p0 $0x0  }
0x77: {  	[sflag:s0] =	ssyncadd.s32 @!p0 s1  }
0x78: {  	[bflag:$0x3] =	sbarrier.arrive $0xFFFF  }
0x79: {  	_ =	shalt  }

</sc_bundles>
